<compile_context>
chip_gen: v7x
topology: tpu7x:2x2x1
jax: 0.10.2.dev20260603
libtpu: 0.0.44.dev20260713+nightly
codegen_flags: <defaults>
</compile_context>

<pallas_src>
import functools

import jax
import jax.numpy as jnp
from jax import lax
from jax.experimental import pallas as pl
from jax.experimental.pallas import tpu as pltpu
from jax.experimental.pallas import tpu_sc as plsc

DIM = 64
CHUNK = 400
NROW = 4
NIDX = 4


@functools.cache
def _make_gather(n_total: int, dim: int):
    info = plsc.get_sparse_core_info()
    nw = info.num_cores * info.num_subcores
    per_w = n_total // nw
    n_chunks = per_w // CHUNK
    assert per_w * nw == n_total and n_chunks * CHUNK == per_w
    assert n_chunks % NIDX == 0 and n_chunks // NIDX >= 2

    mesh = plsc.VectorSubcoreMesh(core_axis_name="c", subcore_axis_name="s")

    @functools.partial(
        pl.kernel,
        mesh=mesh,
        out_type=jax.ShapeDtypeStruct((n_total, 2 * dim), jnp.float32),
        scratch_types=[
            pltpu.VMEM((NIDX, CHUNK), jnp.int32),
            pltpu.VMEM((NROW, CHUNK, dim), jnp.float32),
            pltpu.SemaphoreType.DMA,
            pltpu.SemaphoreType.DMA,
            pltpu.SemaphoreType.DMA,
            pltpu.SemaphoreType.DMA,
            pltpu.SemaphoreType.DMA,
            pltpu.SemaphoreType.DMA,
            pltpu.SemaphoreType.DMA,
            pltpu.SemaphoreType.DMA,
            pltpu.SemaphoreType.DMA,
            pltpu.SemaphoreType.DMA,
            pltpu.SemaphoreType.DMA,
            pltpu.SemaphoreType.DMA,
        ],
        compiler_params=pltpu.CompilerParams(use_tc_tiling_on_sc=False),
    )
    def gather_kernel(idx_hbm, table_hbm, out_hbm, idx_v, rows_v,
                      isem0, isem1, isem2, isem3,
                      gsem0, gsem1, gsem2, gsem3,
                      osem0, osem1, osem2, osem3):
        isems = (isem0, isem1, isem2, isem3)
        gsems = (gsem0, gsem1, gsem2, gsem3)
        osems = (osem0, osem1, osem2, osem3)
        wid = lax.axis_index("s") * info.num_cores + lax.axis_index("c")
        base = wid * per_w

        def idx_load_start(c, j):
            pltpu.async_copy(
                idx_hbm.at[pl.ds(base + c * CHUNK, CHUNK)], idx_v.at[j], isems[j])

        def idx_load_wait(j):
            pltpu.make_async_copy(
                idx_hbm.at[pl.ds(base, CHUNK)], idx_v.at[j], isems[j]).wait()

        def gather_wait(b):
            pltpu.make_async_copy(
                table_hbm.at[idx_v.at[b]], rows_v.at[b], gsems[b]).wait()

        def write_start(c, b):
            pltpu.async_copy(
                rows_v.at[b],
                out_hbm.at[pl.ds(base + c * CHUNK, CHUNK), pl.ds(0, dim)],
                osems[b])

        def out_write_wait(b):
            pltpu.make_async_copy(
                rows_v.at[b],
                out_hbm.at[pl.ds(base, CHUNK), pl.ds(0, dim)], osems[b]).wait()

        def visit(c, k, first=False, prefetch=True):
            b = k % NROW
            if not first:
                out_write_wait(b)
            idx_load_wait(b)
            pltpu.async_copy(table_hbm.at[idx_v.at[b]], rows_v.at[b], gsems[b])
            if prefetch:
                idx_load_start(c + 2, (k + 2) % NIDX)
            kp = (k - 1) % NROW
            if not (first and k == 0):
                gather_wait(kp)
                write_start(c - 1, kp)

        n_quads = n_chunks // NIDX

        idx_load_start(0, 0)
        idx_load_start(1, 1)
        for k in range(NIDX):
            visit(k, k, first=True)

        def quad(o, carry):
            cb = o * NIDX
            for k in range(NIDX):
                visit(cb + k, k)
            return carry

        lax.fori_loop(1, n_quads - 1, quad, 0)

        cb = (n_quads - 1) * NIDX
        for k in range(NIDX):
            visit(cb + k, k, prefetch=(k < 2))

        last = n_chunks - 1
        bl = last % NROW
        gather_wait(bl)
        write_start(last, bl)
        for b in range(NROW):
            out_write_wait(b)

    return gather_kernel


def kernel(x, table):
    b, l = x.shape
    n = b * l
    flat = x.reshape(n).astype(jnp.int32)
    out_pad = _make_gather(n, DIM)(flat, table)
    return out_pad[:, :DIM].reshape(b, l, DIM)

# --- scband reference (transcript-rebuilt; emitter-appended) ---
"""Pipeline reference for scband-embedding-input-6579889897550 (READ-ONLY COPY).

The authoritative reference and input builder live on the scoring server;
editing this copy changes nothing except your own understanding.
"""

import jax, jax.numpy as jnp
import numpy as np

VOCAB = 1000000
DIM = 64
B = 16384
L = 200

def setup_inputs(seed: int = 0) -> dict:
    key = jax.random.key(seed)
    k_idx, k_tab = jax.random.split(key)
    x = jax.random.randint(k_idx, (B, L), 0, VOCAB, dtype=jnp.int64 if jax.config.jax_enable_x64 else jnp.int32)
    # flax nn.Embed default init: normal(stddev=1.0) scaled -> default is normal(1.0); use standard normal scaled
    table = jax.random.normal(k_tab, (VOCAB, DIM), dtype=jnp.float32)
    return {"x": x, "table": table}

def reference(x, table):
    # Faithful to flax nn.Embed.__call__: gather rows of the embedding table
    return jnp.take(table, x, axis=0)

if __name__ == "__main__":
    import jax
    _d = setup_inputs()
    print(jax.jit(kernel)(*tuple(_d.values())))

</pallas_src>

<mosaic_0001>
#map = affine_map<(d0, d1) -> (0)>
#map1 = affine_map<(d0, d1) -> (0, 0)>
module attributes {stable_mosaic.version = 14 : i64} {
  func.func @gather_kernel(%arg0: i32, %arg1: i32, %arg2: memref<3276800xi32, #tpu.memory_space<hbm>>, %arg3: memref<1000000x64xf32, #tpu.memory_space<hbm>>, %arg4: memref<3276800x128xf32, #tpu.memory_space<hbm>>, %arg5: memref<4x400xi32, #tpu.memory_space<vmem>>, %arg6: memref<4x400x64xf32, #tpu.memory_space<vmem>>, %arg7: memref<!tpu.dma_semaphore, #tpu.memory_space<semaphore_mem>>, %arg8: memref<!tpu.dma_semaphore, #tpu.memory_space<semaphore_mem>>, %arg9: memref<!tpu.dma_semaphore, #tpu.memory_space<semaphore_mem>>, %arg10: memref<!tpu.dma_semaphore, #tpu.memory_space<semaphore_mem>>, %arg11: memref<!tpu.dma_semaphore, #tpu.memory_space<semaphore_mem>>, %arg12: memref<!tpu.dma_semaphore, #tpu.memory_space<semaphore_mem>>, %arg13: memref<!tpu.dma_semaphore, #tpu.memory_space<semaphore_mem>>, %arg14: memref<!tpu.dma_semaphore, #tpu.memory_space<semaphore_mem>>, %arg15: memref<!tpu.dma_semaphore, #tpu.memory_space<semaphore_mem>>, %arg16: memref<!tpu.dma_semaphore, #tpu.memory_space<semaphore_mem>>, %arg17: memref<!tpu.dma_semaphore, #tpu.memory_space<semaphore_mem>>, %arg18: memref<!tpu.dma_semaphore, #tpu.memory_space<semaphore_mem>>) attributes {dimension_semantics = [#tpu.dimension_semantics<core_parallel>, #tpu.dimension_semantics<subcore_parallel>], iteration_bounds = array<i64: 2, 16>, scalar_prefetch = 0 : i64, scratch_operands = 14 : i64, tpu.core_type = #tpu.core_type<sc_vector_subcore>, window_params = [{transform_indices = #map}, {transform_indices = #map1}, {transform_indices = #map1}]} {
    %mul3A = arith.constant 2 : i32
    %mul3A_0 = arith.muli %arg1, %mul3A : i32
    %add3A = arith.addi %mul3A_0, %arg0 : i32
    %mul3A_1 = arith.constant 102400 : i32
    %mul3A_2 = arith.muli %add3A, %mul3A_1 : i32
    %add3A_3 = arith.constant 0 : i32
    %add3A_4 = arith.addi %mul3A_2, %add3A_3 : i32
    %dma_start3A = arith.constant 0 : i32
    %dma_start3A_5 = arith.constant 0 : i32
    %dma_start3A_6 = tpu.memref_slice %arg5[%dma_start3A, %dma_start3A_5] : memref<4x400xi32, #tpu.memory_space<vmem>> -> memref<1x400xi32, #tpu.memory_space<vmem>>
    %dma_start3A_7 = tpu.memref_squeeze %dma_start3A_6 : memref<1x400xi32, #tpu.memory_space<vmem>> -> memref<400xi32, #tpu.memory_space<vmem>>
    %dma_start3A_8 = tpu.memref_slice %arg2[%add3A_4] : memref<3276800xi32, #tpu.memory_space<hbm>> -> memref<400xi32, #tpu.memory_space<hbm>>
    %dma_start3A_9 = arith.constant 0 : i32
    %dma_start3A_10 = tpu.memref_slice %arg5[%dma_start3A, %dma_start3A_9] : memref<4x400xi32, #tpu.memory_space<vmem>> -> memref<1x400xi32, #tpu.memory_space<vmem>>
    %dma_start3A_11 = tpu.memref_squeeze %dma_start3A_10 : memref<1x400xi32, #tpu.memory_space<vmem>> -> memref<400xi32, #tpu.memory_space<vmem>>
    %dma_start3A_12 = tpu.memref_slice %arg2[%add3A_4] : memref<3276800xi32, #tpu.memory_space<hbm>> -> memref<400xi32, #tpu.memory_space<hbm>>
    tpu.enqueue_dma source(%dma_start3A_12 : memref<400xi32, #tpu.memory_space<hbm>>) target(%dma_start3A_11 : memref<400xi32, #tpu.memory_space<vmem>>) target_semaphore(%arg7 : memref<!tpu.dma_semaphore, #tpu.memory_space<semaphore_mem>>)
    %add3A_13 = arith.constant 400 : i32
    %add3A_14 = arith.addi %mul3A_2, %add3A_13 : i32
    %dma_start3A_15 = arith.constant 1 : i32
    %dma_start3A_16 = arith.constant 0 : i32
    %dma_start3A_17 = tpu.memref_slice %arg5[%dma_start3A_15, %dma_start3A_16] : memref<4x400xi32, #tpu.memory_space<vmem>> -> memref<1x400xi32, #tpu.memory_space<vmem>>
    %dma_start3A_18 = tpu.memref_squeeze %dma_start3A_17 : memref<1x400xi32, #tpu.memory_space<vmem>> -> memref<400xi32, #tpu.memory_space<vmem>>
    %dma_start3A_19 = tpu.memref_slice %arg2[%add3A_14] : memref<3276800xi32, #tpu.memory_space<hbm>> -> memref<400xi32, #tpu.memory_space<hbm>>
    %dma_start3A_20 = arith.constant 0 : i32
    %dma_start3A_21 = tpu.memref_slice %arg5[%dma_start3A_15, %dma_start3A_20] : memref<4x400xi32, #tpu.memory_space<vmem>> -> memref<1x400xi32, #tpu.memory_space<vmem>>
    %dma_start3A_22 = tpu.memref_squeeze %dma_start3A_21 : memref<1x400xi32, #tpu.memory_space<vmem>> -> memref<400xi32, #tpu.memory_space<vmem>>
    %dma_start3A_23 = tpu.memref_slice %arg2[%add3A_14] : memref<3276800xi32, #tpu.memory_space<hbm>> -> memref<400xi32, #tpu.memory_space<hbm>>
    tpu.enqueue_dma source(%dma_start3A_23 : memref<400xi32, #tpu.memory_space<hbm>>) target(%dma_start3A_22 : memref<400xi32, #tpu.memory_space<vmem>>) target_semaphore(%arg8 : memref<!tpu.dma_semaphore, #tpu.memory_space<semaphore_mem>>)
    %dma_wait3A = arith.constant 0 : i32
    %dma_wait3A_24 = arith.constant 0 : i32
    %dma_wait3A_25 = tpu.memref_slice %arg5[%dma_wait3A, %dma_wait3A_24] : memref<4x400xi32, #tpu.memory_space<vmem>> -> memref<1x400xi32, #tpu.memory_space<vmem>>
    %dma_wait3A_26 = tpu.memref_squeeze %dma_wait3A_25 : memref<1x400xi32, #tpu.memory_space<vmem>> -> memref<400xi32, #tpu.memory_space<vmem>>
    %dma_wait3A_27 = tpu.memref_slice %arg2[%mul3A_2] : memref<3276800xi32, #tpu.memory_space<hbm>> -> memref<400xi32, #tpu.memory_space<hbm>>
    %dma_wait3A_28 = arith.constant 0 : i32
    %dma_wait3A_29 = tpu.memref_slice %arg5[%dma_wait3A, %dma_wait3A_28] : memref<4x400xi32, #tpu.memory_space<vmem>> -> memref<1x400xi32, #tpu.memory_space<vmem>>
    %dma_wait3A_30 = tpu.memref_squeeze %dma_wait3A_29 : memref<1x400xi32, #tpu.memory_space<vmem>> -> memref<400xi32, #tpu.memory_space<vmem>>
    %dma_wait3A_31 = tpu.memref_slice %arg2[%mul3A_2] : memref<3276800xi32, #tpu.memory_space<hbm>> -> memref<400xi32, #tpu.memory_space<hbm>>
    tpu.wait_dma2 semaphore(%arg7 : memref<!tpu.dma_semaphore, #tpu.memory_space<semaphore_mem>>) src(%dma_wait3A_31 : memref<400xi32, #tpu.memory_space<hbm>>) dst(%dma_wait3A_30 : memref<400xi32, #tpu.memory_space<vmem>>)
    %dma_start3A_32 = arith.constant 0 : i32
    %dma_start3A_33 = arith.constant 0 : i32
    %dma_start3A_34 = arith.constant 0 : i32
    %dma_start3A_35 = arith.constant 0 : i32
    %dma_start3A_36 = tpu.memref_slice %arg6[%dma_start3A_33, %dma_start3A_34, %dma_start3A_35] : memref<4x400x64xf32, #tpu.memory_space<vmem>> -> memref<1x400x64xf32, #tpu.memory_space<vmem>>
    %dma_start3A_37 = tpu.memref_squeeze %dma_start3A_36 : memref<1x400x64xf32, #tpu.memory_space<vmem>> -> memref<400x64xf32, #tpu.memory_space<vmem>>
    %dma_start3A_38 = arith.constant 0 : i32
    %dma_start3A_39 = tpu.memref_slice %arg5[%dma_start3A_32, %dma_start3A_38] : memref<4x400xi32, #tpu.memory_space<vmem>> -> memref<1x400xi32, #tpu.memory_space<vmem>>
    %dma_start3A_40 = tpu.memref_squeeze %dma_start3A_39 : memref<1x400xi32, #tpu.memory_space<vmem>> -> memref<400xi32, #tpu.memory_space<vmem>>
    %dma_start3A_41 = arith.constant 0 : i32
    %dma_start3A_42 = arith.constant 0 : i32
    %dma_start3A_43 = tpu.memref_slice %arg3[%dma_start3A_41, %dma_start3A_42] : memref<1000000x64xf32, #tpu.memory_space<hbm>> -> memref<1000000x64xf32, #tpu.memory_space<hbm>>
    tpu.enqueue_indirect_dma source(%dma_start3A_43 : memref<1000000x64xf32, #tpu.memory_space<hbm>>) target(%dma_start3A_37 : memref<400x64xf32, #tpu.memory_space<vmem>>) offsets(%dma_start3A_40 : memref<400xi32, #tpu.memory_space<vmem>>) semaphore(%arg11 : memref<!tpu.dma_semaphore, #tpu.memory_space<semaphore_mem>>)
    %add3A_44 = arith.constant 800 : i32
    %add3A_45 = arith.addi %mul3A_2, %add3A_44 : i32
    %dma_start3A_46 = arith.constant 2 : i32
    %dma_start3A_47 = arith.constant 0 : i32
    %dma_start3A_48 = tpu.memref_slice %arg5[%dma_start3A_46, %dma_start3A_47] : memref<4x400xi32, #tpu.memory_space<vmem>> -> memref<1x400xi32, #tpu.memory_space<vmem>>
    %dma_start3A_49 = tpu.memref_squeeze %dma_start3A_48 : memref<1x400xi32, #tpu.memory_space<vmem>> -> memref<400xi32, #tpu.memory_space<vmem>>
    %dma_start3A_50 = tpu.memref_slice %arg2[%add3A_45] : memref<3276800xi32, #tpu.memory_space<hbm>> -> memref<400xi32, #tpu.memory_space<hbm>>
    %dma_start3A_51 = arith.constant 0 : i32
    %dma_start3A_52 = tpu.memref_slice %arg5[%dma_start3A_46, %dma_start3A_51] : memref<4x400xi32, #tpu.memory_space<vmem>> -> memref<1x400xi32, #tpu.memory_space<vmem>>
    %dma_start3A_53 = tpu.memref_squeeze %dma_start3A_52 : memref<1x400xi32, #tpu.memory_space<vmem>> -> memref<400xi32, #tpu.memory_space<vmem>>
    %dma_start3A_54 = tpu.memref_slice %arg2[%add3A_45] : memref<3276800xi32, #tpu.memory_space<hbm>> -> memref<400xi32, #tpu.memory_space<hbm>>
    tpu.enqueue_dma source(%dma_start3A_54 : memref<400xi32, #tpu.memory_space<hbm>>) target(%dma_start3A_53 : memref<400xi32, #tpu.memory_space<vmem>>) target_semaphore(%arg9 : memref<!tpu.dma_semaphore, #tpu.memory_space<semaphore_mem>>)
    %dma_wait3A_55 = arith.constant 1 : i32
    %dma_wait3A_56 = arith.constant 0 : i32
    %dma_wait3A_57 = tpu.memref_slice %arg5[%dma_wait3A_55, %dma_wait3A_56] : memref<4x400xi32, #tpu.memory_space<vmem>> -> memref<1x400xi32, #tpu.memory_space<vmem>>
    %dma_wait3A_58 = tpu.memref_squeeze %dma_wait3A_57 : memref<1x400xi32, #tpu.memory_space<vmem>> -> memref<400xi32, #tpu.memory_space<vmem>>
    %dma_wait3A_59 = tpu.memref_slice %arg2[%mul3A_2] : memref<3276800xi32, #tpu.memory_space<hbm>> -> memref<400xi32, #tpu.memory_space<hbm>>
    %dma_wait3A_60 = arith.constant 0 : i32
    %dma_wait3A_61 = tpu.memref_slice %arg5[%dma_wait3A_55, %dma_wait3A_60] : memref<4x400xi32, #tpu.memory_space<vmem>> -> memref<1x400xi32, #tpu.memory_space<vmem>>
    %dma_wait3A_62 = tpu.memref_squeeze %dma_wait3A_61 : memref<1x400xi32, #tpu.memory_space<vmem>> -> memref<400xi32, #tpu.memory_space<vmem>>
    %dma_wait3A_63 = tpu.memref_slice %arg2[%mul3A_2] : memref<3276800xi32, #tpu.memory_space<hbm>> -> memref<400xi32, #tpu.memory_space<hbm>>
    tpu.wait_dma2 semaphore(%arg8 : memref<!tpu.dma_semaphore, #tpu.memory_space<semaphore_mem>>) src(%dma_wait3A_63 : memref<400xi32, #tpu.memory_space<hbm>>) dst(%dma_wait3A_62 : memref<400xi32, #tpu.memory_space<vmem>>)
    %dma_start3A_64 = arith.constant 1 : i32
    %dma_start3A_65 = arith.constant 1 : i32
    %dma_start3A_66 = arith.constant 0 : i32
    %dma_start3A_67 = arith.constant 0 : i32
    %dma_start3A_68 = tpu.memref_slice %arg6[%dma_start3A_65, %dma_start3A_66, %dma_start3A_67] : memref<4x400x64xf32, #tpu.memory_space<vmem>> -> memref<1x400x64xf32, #tpu.memory_space<vmem>>
    %dma_start3A_69 = tpu.memref_squeeze %dma_start3A_68 : memref<1x400x64xf32, #tpu.memory_space<vmem>> -> memref<400x64xf32, #tpu.memory_space<vmem>>
    %dma_start3A_70 = arith.constant 0 : i32
    %dma_start3A_71 = tpu.memref_slice %arg5[%dma_start3A_64, %dma_start3A_70] : memref<4x400xi32, #tpu.memory_space<vmem>> -> memref<1x400xi32, #tpu.memory_space<vmem>>
    %dma_start3A_72 = tpu.memref_squeeze %dma_start3A_71 : memref<1x400xi32, #tpu.memory_space<vmem>> -> memref<400xi32, #tpu.memory_space<vmem>>
    %dma_start3A_73 = arith.constant 0 : i32
    %dma_start3A_74 = arith.constant 0 : i32
    %dma_start3A_75 = tpu.memref_slice %arg3[%dma_start3A_73, %dma_start3A_74] : memref<1000000x64xf32, #tpu.memory_space<hbm>> -> memref<1000000x64xf32, #tpu.memory_space<hbm>>
    tpu.enqueue_indirect_dma source(%dma_start3A_75 : memref<1000000x64xf32, #tpu.memory_space<hbm>>) target(%dma_start3A_69 : memref<400x64xf32, #tpu.memory_space<vmem>>) offsets(%dma_start3A_72 : memref<400xi32, #tpu.memory_space<vmem>>) semaphore(%arg12 : memref<!tpu.dma_semaphore, #tpu.memory_space<semaphore_mem>>)
    %add3A_76 = arith.constant 1200 : i32
    %add3A_77 = arith.addi %mul3A_2, %add3A_76 : i32
    %dma_start3A_78 = arith.constant 3 : i32
    %dma_start3A_79 = arith.constant 0 : i32
    %dma_start3A_80 = tpu.memref_slice %arg5[%dma_start3A_78, %dma_start3A_79] : memref<4x400xi32, #tpu.memory_space<vmem>> -> memref<1x400xi32, #tpu.memory_space<vmem>>
    %dma_start3A_81 = tpu.memref_squeeze %dma_start3A_80 : memref<1x400xi32, #tpu.memory_space<vmem>> -> memref<400xi32, #tpu.memory_space<vmem>>
    %dma_start3A_82 = tpu.memref_slice %arg2[%add3A_77] : memref<3276800xi32, #tpu.memory_space<hbm>> -> memref<400xi32, #tpu.memory_space<hbm>>
    %dma_start3A_83 = arith.constant 0 : i32
    %dma_start3A_84 = tpu.memref_slice %arg5[%dma_start3A_78, %dma_start3A_83] : memref<4x400xi32, #tpu.memory_space<vmem>> -> memref<1x400xi32, #tpu.memory_space<vmem>>
    %dma_start3A_85 = tpu.memref_squeeze %dma_start3A_84 : memref<1x400xi32, #tpu.memory_space<vmem>> -> memref<400xi32, #tpu.memory_space<vmem>>
    %dma_start3A_86 = tpu.memref_slice %arg2[%add3A_77] : memref<3276800xi32, #tpu.memory_space<hbm>> -> memref<400xi32, #tpu.memory_space<hbm>>
    tpu.enqueue_dma source(%dma_start3A_86 : memref<400xi32, #tpu.memory_space<hbm>>) target(%dma_start3A_85 : memref<400xi32, #tpu.memory_space<vmem>>) target_semaphore(%arg10 : memref<!tpu.dma_semaphore, #tpu.memory_space<semaphore_mem>>)
    %dma_wait3A_87 = arith.constant 0 : i32
    %dma_wait3A_88 = arith.constant 0 : i32
    %dma_wait3A_89 = arith.constant 0 : i32
    %dma_wait3A_90 = arith.constant 0 : i32
    %dma_wait3A_91 = tpu.memref_slice %arg6[%dma_wait3A_88, %dma_wait3A_89, %dma_wait3A_90] : memref<4x400x64xf32, #tpu.memory_space<vmem>> -> memref<1x400x64xf32, #tpu.memory_space<vmem>>
    %dma_wait3A_92 = tpu.memref_squeeze %dma_wait3A_91 : memref<1x400x64xf32, #tpu.memory_space<vmem>> -> memref<400x64xf32, #tpu.memory_space<vmem>>
    %dma_wait3A_93 = arith.constant 0 : i32
    %dma_wait3A_94 = tpu.memref_slice %arg5[%dma_wait3A_87, %dma_wait3A_93] : memref<4x400xi32, #tpu.memory_space<vmem>> -> memref<1x400xi32, #tpu.memory_space<vmem>>
    %dma_wait3A_95 = tpu.memref_squeeze %dma_wait3A_94 : memref<1x400xi32, #tpu.memory_space<vmem>> -> memref<400xi32, #tpu.memory_space<vmem>>
    %dma_wait3A_96 = arith.constant 0 : i32
    %dma_wait3A_97 = arith.constant 0 : i32
    %dma_wait3A_98 = tpu.memref_slice %arg3[%dma_wait3A_96, %dma_wait3A_97] : memref<1000000x64xf32, #tpu.memory_space<hbm>> -> memref<1000000x64xf32, #tpu.memory_space<hbm>>
    tpu.wait_indirect_dma semaphore(%arg11 : memref<!tpu.dma_semaphore, #tpu.memory_space<semaphore_mem>>) src(%dma_wait3A_98 : memref<1000000x64xf32, #tpu.memory_space<hbm>>) dst(%dma_wait3A_92 : memref<400x64xf32, #tpu.memory_space<vmem>>)
    %add3A_99 = arith.constant 0 : i32
    %add3A_100 = arith.addi %mul3A_2, %add3A_99 : i32
    %dma_start3A_101 = arith.constant 0 : i32
    %dma_start3A_102 = arith.constant 0 : i32
    %dma_start3A_103 = arith.constant 0 : i32
    %dma_start3A_104 = tpu.memref_slice %arg6[%dma_start3A_101, %dma_start3A_102, %dma_start3A_103] : memref<4x400x64xf32, #tpu.memory_space<vmem>> -> memref<1x400x64xf32, #tpu.memory_space<vmem>>
    %dma_start3A_105 = tpu.memref_squeeze %dma_start3A_104 : memref<1x400x64xf32, #tpu.memory_space<vmem>> -> memref<400x64xf32, #tpu.memory_space<vmem>>
    %dma_start3A_106 = arith.constant 0 : i32
    %dma_start3A_107 = tpu.memref_slice %arg4[%add3A_100, %dma_start3A_106] : memref<3276800x128xf32, #tpu.memory_space<hbm>> -> memref<400x64xf32, #tpu.memory_space<hbm>>
    %dma_start3A_108 = arith.constant 0 : i32
    %dma_start3A_109 = tpu.memref_slice %arg4[%add3A_100, %dma_start3A_108] : memref<3276800x128xf32, #tpu.memory_space<hbm>> -> memref<400x64xf32, #tpu.memory_space<hbm>>
    %dma_start3A_110 = arith.constant 0 : i32
    %dma_start3A_111 = arith.constant 0 : i32
    %dma_start3A_112 = tpu.memref_slice %arg6[%dma_start3A_101, %dma_start3A_110, %dma_start3A_111] : memref<4x400x64xf32, #tpu.memory_space<vmem>> -> memref<1x400x64xf32, #tpu.memory_space<vmem>>
    %dma_start3A_113 = tpu.memref_squeeze %dma_start3A_112 : memref<1x400x64xf32, #tpu.memory_space<vmem>> -> memref<400x64xf32, #tpu.memory_space<vmem>>
    tpu.enqueue_dma source(%dma_start3A_113 : memref<400x64xf32, #tpu.memory_space<vmem>>) target(%dma_start3A_109 : memref<400x64xf32, #tpu.memory_space<hbm>>) target_semaphore(%arg15 : memref<!tpu.dma_semaphore, #tpu.memory_space<semaphore_mem>>)
    %dma_wait3A_114 = arith.constant 2 : i32
    %dma_wait3A_115 = arith.constant 0 : i32
    %dma_wait3A_116 = tpu.memref_slice %arg5[%dma_wait3A_114, %dma_wait3A_115] : memref<4x400xi32, #tpu.memory_space<vmem>> -> memref<1x400xi32, #tpu.memory_space<vmem>>
    %dma_wait3A_117 = tpu.memref_squeeze %dma_wait3A_116 : memref<1x400xi32, #tpu.memory_space<vmem>> -> memref<400xi32, #tpu.memory_space<vmem>>
    %dma_wait3A_118 = tpu.memref_slice %arg2[%mul3A_2] : memref<3276800xi32, #tpu.memory_space<hbm>> -> memref<400xi32, #tpu.memory_space<hbm>>
    %dma_wait3A_119 = arith.constant 0 : i32
    %dma_wait3A_120 = tpu.memref_slice %arg5[%dma_wait3A_114, %dma_wait3A_119] : memref<4x400xi32, #tpu.memory_space<vmem>> -> memref<1x400xi32, #tpu.memory_space<vmem>>
    %dma_wait3A_121 = tpu.memref_squeeze %dma_wait3A_120 : memref<1x400xi32, #tpu.memory_space<vmem>> -> memref<400xi32, #tpu.memory_space<vmem>>
    %dma_wait3A_122 = tpu.memref_slice %arg2[%mul3A_2] : memref<3276800xi32, #tpu.memory_space<hbm>> -> memref<400xi32, #tpu.memory_space<hbm>>
    tpu.wait_dma2 semaphore(%arg9 : memref<!tpu.dma_semaphore, #tpu.memory_space<semaphore_mem>>) src(%dma_wait3A_122 : memref<400xi32, #tpu.memory_space<hbm>>) dst(%dma_wait3A_121 : memref<400xi32, #tpu.memory_space<vmem>>)
    %dma_start3A_123 = arith.constant 2 : i32
    %dma_start3A_124 = arith.constant 2 : i32
    %dma_start3A_125 = arith.constant 0 : i32
    %dma_start3A_126 = arith.constant 0 : i32
    %dma_start3A_127 = tpu.memref_slice %arg6[%dma_start3A_124, %dma_start3A_125, %dma_start3A_126] : memref<4x400x64xf32, #tpu.memory_space<vmem>> -> memref<1x400x64xf32, #tpu.memory_space<vmem>>
    %dma_start3A_128 = tpu.memref_squeeze %dma_start3A_127 : memref<1x400x64xf32, #tpu.memory_space<vmem>> -> memref<400x64xf32, #tpu.memory_space<vmem>>
    %dma_start3A_129 = arith.constant 0 : i32
    %dma_start3A_130 = tpu.memref_slice %arg5[%dma_start3A_123, %dma_start3A_129] : memref<4x400xi32, #tpu.memory_space<vmem>> -> memref<1x400xi32, #tpu.memory_space<vmem>>
    %dma_start3A_131 = tpu.memref_squeeze %dma_start3A_130 : memref<1x400xi32, #tpu.memory_space<vmem>> -> memref<400xi32, #tpu.memory_space<vmem>>
    %dma_start3A_132 = arith.constant 0 : i32
    %dma_start3A_133 = arith.constant 0 : i32
    %dma_start3A_134 = tpu.memref_slice %arg3[%dma_start3A_132, %dma_start3A_133] : memref<1000000x64xf32, #tpu.memory_space<hbm>> -> memref<1000000x64xf32, #tpu.memory_space<hbm>>
    tpu.enqueue_indirect_dma source(%dma_start3A_134 : memref<1000000x64xf32, #tpu.memory_space<hbm>>) target(%dma_start3A_128 : memref<400x64xf32, #tpu.memory_space<vmem>>) offsets(%dma_start3A_131 : memref<400xi32, #tpu.memory_space<vmem>>) semaphore(%arg13 : memref<!tpu.dma_semaphore, #tpu.memory_space<semaphore_mem>>)
    %add3A_135 = arith.constant 1600 : i32
    %add3A_136 = arith.addi %mul3A_2, %add3A_135 : i32
    %dma_start3A_137 = arith.constant 0 : i32
    %dma_start3A_138 = arith.constant 0 : i32
    %dma_start3A_139 = tpu.memref_slice %arg5[%dma_start3A_137, %dma_start3A_138] : memref<4x400xi32, #tpu.memory_space<vmem>> -> memref<1x400xi32, #tpu.memory_space<vmem>>
    %dma_start3A_140 = tpu.memref_squeeze %dma_start3A_139 : memref<1x400xi32, #tpu.memory_space<vmem>> -> memref<400xi32, #tpu.memory_space<vmem>>
    %dma_start3A_141 = tpu.memref_slice %arg2[%add3A_136] : memref<3276800xi32, #tpu.memory_space<hbm>> -> memref<400xi32, #tpu.memory_space<hbm>>
    %dma_start3A_142 = arith.constant 0 : i32
    %dma_start3A_143 = tpu.memref_slice %arg5[%dma_start3A_137, %dma_start3A_142] : memref<4x400xi32, #tpu.memory_space<vmem>> -> memref<1x400xi32, #tpu.memory_space<vmem>>
    %dma_start3A_144 = tpu.memref_squeeze %dma_start3A_143 : memref<1x400xi32, #tpu.memory_space<vmem>> -> memref<400xi32, #tpu.memory_space<vmem>>
    %dma_start3A_145 = tpu.memref_slice %arg2[%add3A_136] : memref<3276800xi32, #tpu.memory_space<hbm>> -> memref<400xi32, #tpu.memory_space<hbm>>
    tpu.enqueue_dma source(%dma_start3A_145 : memref<400xi32, #tpu.memory_space<hbm>>) target(%dma_start3A_144 : memref<400xi32, #tpu.memory_space<vmem>>) target_semaphore(%arg7 : memref<!tpu.dma_semaphore, #tpu.memory_space<semaphore_mem>>)
    %dma_wait3A_146 = arith.constant 1 : i32
    %dma_wait3A_147 = arith.constant 1 : i32
    %dma_wait3A_148 = arith.constant 0 : i32
    %dma_wait3A_149 = arith.constant 0 : i32
    %dma_wait3A_150 = tpu.memref_slice %arg6[%dma_wait3A_147, %dma_wait3A_148, %dma_wait3A_149] : memref<4x400x64xf32, #tpu.memory_space<vmem>> -> memref<1x400x64xf32, #tpu.memory_space<vmem>>
    %dma_wait3A_151 = tpu.memref_squeeze %dma_wait3A_150 : memref<1x400x64xf32, #tpu.memory_space<vmem>> -> memref<400x64xf32, #tpu.memory_space<vmem>>
    %dma_wait3A_152 = arith.constant 0 : i32
    %dma_wait3A_153 = tpu.memref_slice %arg5[%dma_wait3A_146, %dma_wait3A_152] : memref<4x400xi32, #tpu.memory_space<vmem>> -> memref<1x400xi32, #tpu.memory_space<vmem>>
    %dma_wait3A_154 = tpu.memref_squeeze %dma_wait3A_153 : memref<1x400xi32, #tpu.memory_space<vmem>> -> memref<400xi32, #tpu.memory_space<vmem>>
    %dma_wait3A_155 = arith.constant 0 : i32
    %dma_wait3A_156 = arith.constant 0 : i32
    %dma_wait3A_157 = tpu.memref_slice %arg3[%dma_wait3A_155, %dma_wait3A_156] : memref<1000000x64xf32, #tpu.memory_space<hbm>> -> memref<1000000x64xf32, #tpu.memory_space<hbm>>
    tpu.wait_indirect_dma semaphore(%arg12 : memref<!tpu.dma_semaphore, #tpu.memory_space<semaphore_mem>>) src(%dma_wait3A_157 : memref<1000000x64xf32, #tpu.memory_space<hbm>>) dst(%dma_wait3A_151 : memref<400x64xf32, #tpu.memory_space<vmem>>)
    %add3A_158 = arith.constant 400 : i32
    %add3A_159 = arith.addi %mul3A_2, %add3A_158 : i32
    %dma_start3A_160 = arith.constant 1 : i32
    %dma_start3A_161 = arith.constant 0 : i32
    %dma_start3A_162 = arith.constant 0 : i32
    %dma_start3A_163 = tpu.memref_slice %arg6[%dma_start3A_160, %dma_start3A_161, %dma_start3A_162] : memref<4x400x64xf32, #tpu.memory_space<vmem>> -> memref<1x400x64xf32, #tpu.memory_space<vmem>>
    %dma_start3A_164 = tpu.memref_squeeze %dma_start3A_163 : memref<1x400x64xf32, #tpu.memory_space<vmem>> -> memref<400x64xf32, #tpu.memory_space<vmem>>
    %dma_start3A_165 = arith.constant 0 : i32
    %dma_start3A_166 = tpu.memref_slice %arg4[%add3A_159, %dma_start3A_165] : memref<3276800x128xf32, #tpu.memory_space<hbm>> -> memref<400x64xf32, #tpu.memory_space<hbm>>
    %dma_start3A_167 = arith.constant 0 : i32
    %dma_start3A_168 = tpu.memref_slice %arg4[%add3A_159, %dma_start3A_167] : memref<3276800x128xf32, #tpu.memory_space<hbm>> -> memref<400x64xf32, #tpu.memory_space<hbm>>
    %dma_start3A_169 = arith.constant 0 : i32
    %dma_start3A_170 = arith.constant 0 : i32
    %dma_start3A_171 = tpu.memref_slice %arg6[%dma_start3A_160, %dma_start3A_169, %dma_start3A_170] : memref<4x400x64xf32, #tpu.memory_space<vmem>> -> memref<1x400x64xf32, #tpu.memory_space<vmem>>
    %dma_start3A_172 = tpu.memref_squeeze %dma_start3A_171 : memref<1x400x64xf32, #tpu.memory_space<vmem>> -> memref<400x64xf32, #tpu.memory_space<vmem>>
    tpu.enqueue_dma source(%dma_start3A_172 : memref<400x64xf32, #tpu.memory_space<vmem>>) target(%dma_start3A_168 : memref<400x64xf32, #tpu.memory_space<hbm>>) target_semaphore(%arg16 : memref<!tpu.dma_semaphore, #tpu.memory_space<semaphore_mem>>)
    %dma_wait3A_173 = arith.constant 3 : i32
    %dma_wait3A_174 = arith.constant 0 : i32
    %dma_wait3A_175 = tpu.memref_slice %arg5[%dma_wait3A_173, %dma_wait3A_174] : memref<4x400xi32, #tpu.memory_space<vmem>> -> memref<1x400xi32, #tpu.memory_space<vmem>>
    %dma_wait3A_176 = tpu.memref_squeeze %dma_wait3A_175 : memref<1x400xi32, #tpu.memory_space<vmem>> -> memref<400xi32, #tpu.memory_space<vmem>>
    %dma_wait3A_177 = tpu.memref_slice %arg2[%mul3A_2] : memref<3276800xi32, #tpu.memory_space<hbm>> -> memref<400xi32, #tpu.memory_space<hbm>>
    %dma_wait3A_178 = arith.constant 0 : i32
    %dma_wait3A_179 = tpu.memref_slice %arg5[%dma_wait3A_173, %dma_wait3A_178] : memref<4x400xi32, #tpu.memory_space<vmem>> -> memref<1x400xi32, #tpu.memory_space<vmem>>
    %dma_wait3A_180 = tpu.memref_squeeze %dma_wait3A_179 : memref<1x400xi32, #tpu.memory_space<vmem>> -> memref<400xi32, #tpu.memory_space<vmem>>
    %dma_wait3A_181 = tpu.memref_slice %arg2[%mul3A_2] : memref<3276800xi32, #tpu.memory_space<hbm>> -> memref<400xi32, #tpu.memory_space<hbm>>
    tpu.wait_dma2 semaphore(%arg10 : memref<!tpu.dma_semaphore, #tpu.memory_space<semaphore_mem>>) src(%dma_wait3A_181 : memref<400xi32, #tpu.memory_space<hbm>>) dst(%dma_wait3A_180 : memref<400xi32, #tpu.memory_space<vmem>>)
    %dma_start3A_182 = arith.constant 3 : i32
    %dma_start3A_183 = arith.constant 3 : i32
    %dma_start3A_184 = arith.constant 0 : i32
    %dma_start3A_185 = arith.constant 0 : i32
    %dma_start3A_186 = tpu.memref_slice %arg6[%dma_start3A_183, %dma_start3A_184, %dma_start3A_185] : memref<4x400x64xf32, #tpu.memory_space<vmem>> -> memref<1x400x64xf32, #tpu.memory_space<vmem>>
    %dma_start3A_187 = tpu.memref_squeeze %dma_start3A_186 : memref<1x400x64xf32, #tpu.memory_space<vmem>> -> memref<400x64xf32, #tpu.memory_space<vmem>>
    %dma_start3A_188 = arith.constant 0 : i32
    %dma_start3A_189 = tpu.memref_slice %arg5[%dma_start3A_182, %dma_start3A_188] : memref<4x400xi32, #tpu.memory_space<vmem>> -> memref<1x400xi32, #tpu.memory_space<vmem>>
    %dma_start3A_190 = tpu.memref_squeeze %dma_start3A_189 : memref<1x400xi32, #tpu.memory_space<vmem>> -> memref<400xi32, #tpu.memory_space<vmem>>
    %dma_start3A_191 = arith.constant 0 : i32
    %dma_start3A_192 = arith.constant 0 : i32
    %dma_start3A_193 = tpu.memref_slice %arg3[%dma_start3A_191, %dma_start3A_192] : memref<1000000x64xf32, #tpu.memory_space<hbm>> -> memref<1000000x64xf32, #tpu.memory_space<hbm>>
    tpu.enqueue_indirect_dma source(%dma_start3A_193 : memref<1000000x64xf32, #tpu.memory_space<hbm>>) target(%dma_start3A_187 : memref<400x64xf32, #tpu.memory_space<vmem>>) offsets(%dma_start3A_190 : memref<400xi32, #tpu.memory_space<vmem>>) semaphore(%arg14 : memref<!tpu.dma_semaphore, #tpu.memory_space<semaphore_mem>>)
    %add3A_194 = arith.constant 2000 : i32
    %add3A_195 = arith.addi %mul3A_2, %add3A_194 : i32
    %dma_start3A_196 = arith.constant 1 : i32
    %dma_start3A_197 = arith.constant 0 : i32
    %dma_start3A_198 = tpu.memref_slice %arg5[%dma_start3A_196, %dma_start3A_197] : memref<4x400xi32, #tpu.memory_space<vmem>> -> memref<1x400xi32, #tpu.memory_space<vmem>>
    %dma_start3A_199 = tpu.memref_squeeze %dma_start3A_198 : memref<1x400xi32, #tpu.memory_space<vmem>> -> memref<400xi32, #tpu.memory_space<vmem>>
    %dma_start3A_200 = tpu.memref_slice %arg2[%add3A_195] : memref<3276800xi32, #tpu.memory_space<hbm>> -> memref<400xi32, #tpu.memory_space<hbm>>
    %dma_start3A_201 = arith.constant 0 : i32
    %dma_start3A_202 = tpu.memref_slice %arg5[%dma_start3A_196, %dma_start3A_201] : memref<4x400xi32, #tpu.memory_space<vmem>> -> memref<1x400xi32, #tpu.memory_space<vmem>>
    %dma_start3A_203 = tpu.memref_squeeze %dma_start3A_202 : memref<1x400xi32, #tpu.memory_space<vmem>> -> memref<400xi32, #tpu.memory_space<vmem>>
    %dma_start3A_204 = tpu.memref_slice %arg2[%add3A_195] : memref<3276800xi32, #tpu.memory_space<hbm>> -> memref<400xi32, #tpu.memory_space<hbm>>
    tpu.enqueue_dma source(%dma_start3A_204 : memref<400xi32, #tpu.memory_space<hbm>>) target(%dma_start3A_203 : memref<400xi32, #tpu.memory_space<vmem>>) target_semaphore(%arg8 : memref<!tpu.dma_semaphore, #tpu.memory_space<semaphore_mem>>)
    %dma_wait3A_205 = arith.constant 2 : i32
    %dma_wait3A_206 = arith.constant 2 : i32
    %dma_wait3A_207 = arith.constant 0 : i32
    %dma_wait3A_208 = arith.constant 0 : i32
    %dma_wait3A_209 = tpu.memref_slice %arg6[%dma_wait3A_206, %dma_wait3A_207, %dma_wait3A_208] : memref<4x400x64xf32, #tpu.memory_space<vmem>> -> memref<1x400x64xf32, #tpu.memory_space<vmem>>
    %dma_wait3A_210 = tpu.memref_squeeze %dma_wait3A_209 : memref<1x400x64xf32, #tpu.memory_space<vmem>> -> memref<400x64xf32, #tpu.memory_space<vmem>>
    %dma_wait3A_211 = arith.constant 0 : i32
    %dma_wait3A_212 = tpu.memref_slice %arg5[%dma_wait3A_205, %dma_wait3A_211] : memref<4x400xi32, #tpu.memory_space<vmem>> -> memref<1x400xi32, #tpu.memory_space<vmem>>
    %dma_wait3A_213 = tpu.memref_squeeze %dma_wait3A_212 : memref<1x400xi32, #tpu.memory_space<vmem>> -> memref<400xi32, #tpu.memory_space<vmem>>
    %dma_wait3A_214 = arith.constant 0 : i32
    %dma_wait3A_215 = arith.constant 0 : i32
    %dma_wait3A_216 = tpu.memref_slice %arg3[%dma_wait3A_214, %dma_wait3A_215] : memref<1000000x64xf32, #tpu.memory_space<hbm>> -> memref<1000000x64xf32, #tpu.memory_space<hbm>>
    tpu.wait_indirect_dma semaphore(%arg13 : memref<!tpu.dma_semaphore, #tpu.memory_space<semaphore_mem>>) src(%dma_wait3A_216 : memref<1000000x64xf32, #tpu.memory_space<hbm>>) dst(%dma_wait3A_210 : memref<400x64xf32, #tpu.memory_space<vmem>>)
    %add3A_217 = arith.constant 800 : i32
    %add3A_218 = arith.addi %mul3A_2, %add3A_217 : i32
    %dma_start3A_219 = arith.constant 2 : i32
    %dma_start3A_220 = arith.constant 0 : i32
    %dma_start3A_221 = arith.constant 0 : i32
    %dma_start3A_222 = tpu.memref_slice %arg6[%dma_start3A_219, %dma_start3A_220, %dma_start3A_221] : memref<4x400x64xf32, #tpu.memory_space<vmem>> -> memref<1x400x64xf32, #tpu.memory_space<vmem>>
    %dma_start3A_223 = tpu.memref_squeeze %dma_start3A_222 : memref<1x400x64xf32, #tpu.memory_space<vmem>> -> memref<400x64xf32, #tpu.memory_space<vmem>>
    %dma_start3A_224 = arith.constant 0 : i32
    %dma_start3A_225 = tpu.memref_slice %arg4[%add3A_218, %dma_start3A_224] : memref<3276800x128xf32, #tpu.memory_space<hbm>> -> memref<400x64xf32, #tpu.memory_space<hbm>>
    %dma_start3A_226 = arith.constant 0 : i32
    %dma_start3A_227 = tpu.memref_slice %arg4[%add3A_218, %dma_start3A_226] : memref<3276800x128xf32, #tpu.memory_space<hbm>> -> memref<400x64xf32, #tpu.memory_space<hbm>>
    %dma_start3A_228 = arith.constant 0 : i32
    %dma_start3A_229 = arith.constant 0 : i32
    %dma_start3A_230 = tpu.memref_slice %arg6[%dma_start3A_219, %dma_start3A_228, %dma_start3A_229] : memref<4x400x64xf32, #tpu.memory_space<vmem>> -> memref<1x400x64xf32, #tpu.memory_space<vmem>>
    %dma_start3A_231 = tpu.memref_squeeze %dma_start3A_230 : memref<1x400x64xf32, #tpu.memory_space<vmem>> -> memref<400x64xf32, #tpu.memory_space<vmem>>
    tpu.enqueue_dma source(%dma_start3A_231 : memref<400x64xf32, #tpu.memory_space<vmem>>) target(%dma_start3A_227 : memref<400x64xf32, #tpu.memory_space<hbm>>) target_semaphore(%arg17 : memref<!tpu.dma_semaphore, #tpu.memory_space<semaphore_mem>>)
    %scan3A = arith.constant 0 : i32
    %scan3A_232 = arith.constant 1 : i32
    %scan3A_233 = arith.constant 62 : i32
    %scan3A_234 = arith.addi %scan3A_232, %scan3A_233 : i32
    %scan3A_235 = arith.constant 1 : i32
    scf.for %scan3A_582 = %scan3A_232 to %scan3A_234 step %scan3A_235  : i32 {
      %mul3A_583 = arith.constant 4 : i32
      %mul3A_584 = arith.muli %scan3A_582, %mul3A_583 : i32
      %add3A_585 = arith.constant 0 : i32
      %add3A_586 = arith.addi %mul3A_584, %add3A_585 : i32
      %dma_wait3A_587 = arith.constant 0 : i32
      %dma_wait3A_588 = arith.constant 0 : i32
      %dma_wait3A_589 = arith.constant 0 : i32
      %dma_wait3A_590 = tpu.memref_slice %arg6[%dma_wait3A_587, %dma_wait3A_588, %dma_wait3A_589] : memref<4x400x64xf32, #tpu.memory_space<vmem>> -> memref<1x400x64xf32, #tpu.memory_space<vmem>>
      %dma_wait3A_591 = tpu.memref_squeeze %dma_wait3A_590 : memref<1x400x64xf32, #tpu.memory_space<vmem>> -> memref<400x64xf32, #tpu.memory_space<vmem>>
      %dma_wait3A_592 = arith.constant 0 : i32
      %dma_wait3A_593 = tpu.memref_slice %arg4[%mul3A_2, %dma_wait3A_592] : memref<3276800x128xf32, #tpu.memory_space<hbm>> -> memref<400x64xf32, #tpu.memory_space<hbm>>
      %dma_wait3A_594 = arith.constant 0 : i32
      %dma_wait3A_595 = tpu.memref_slice %arg4[%mul3A_2, %dma_wait3A_594] : memref<3276800x128xf32, #tpu.memory_space<hbm>> -> memref<400x64xf32, #tpu.memory_space<hbm>>
      %dma_wait3A_596 = arith.constant 0 : i32
      %dma_wait3A_597 = arith.constant 0 : i32
      %dma_wait3A_598 = tpu.memref_slice %arg6[%dma_wait3A_587, %dma_wait3A_596, %dma_wait3A_597] : memref<4x400x64xf32, #tpu.memory_space<vmem>> -> memref<1x400x64xf32, #tpu.memory_space<vmem>>
      %dma_wait3A_599 = tpu.memref_squeeze %dma_wait3A_598 : memref<1x400x64xf32, #tpu.memory_space<vmem>> -> memref<400x64xf32, #tpu.memory_space<vmem>>
      tpu.wait_dma2 semaphore(%arg15 : memref<!tpu.dma_semaphore, #tpu.memory_space<semaphore_mem>>) src(%dma_wait3A_599 : memref<400x64xf32, #tpu.memory_space<vmem>>) dst(%dma_wait3A_595 : memref<400x64xf32, #tpu.memory_space<hbm>>)
      %dma_wait3A_600 = arith.constant 0 : i32
      %dma_wait3A_601 = arith.constant 0 : i32
      %dma_wait3A_602 = tpu.memref_slice %arg5[%dma_wait3A_600, %dma_wait3A_601] : memref<4x400xi32, #tpu.memory_space<vmem>> -> memref<1x400xi32, #tpu.memory_space<vmem>>
      %dma_wait3A_603 = tpu.memref_squeeze %dma_wait3A_602 : memref<1x400xi32, #tpu.memory_space<vmem>> -> memref<400xi32, #tpu.memory_space<vmem>>
      %dma_wait3A_604 = tpu.memref_slice %arg2[%mul3A_2] : memref<3276800xi32, #tpu.memory_space<hbm>> -> memref<400xi32, #tpu.memory_space<hbm>>
      %dma_wait3A_605 = arith.constant 0 : i32
      %dma_wait3A_606 = tpu.memref_slice %arg5[%dma_wait3A_600, %dma_wait3A_605] : memref<4x400xi32, #tpu.memory_space<vmem>> -> memref<1x400xi32, #tpu.memory_space<vmem>>
      %dma_wait3A_607 = tpu.memref_squeeze %dma_wait3A_606 : memref<1x400xi32, #tpu.memory_space<vmem>> -> memref<400xi32, #tpu.memory_space<vmem>>
      %dma_wait3A_608 = tpu.memref_slice %arg2[%mul3A_2] : memref<3276800xi32, #tpu.memory_space<hbm>> -> memref<400xi32, #tpu.memory_space<hbm>>
      tpu.wait_dma2 semaphore(%arg7 : memref<!tpu.dma_semaphore, #tpu.memory_space<semaphore_mem>>) src(%dma_wait3A_608 : memref<400xi32, #tpu.memory_space<hbm>>) dst(%dma_wait3A_607 : memref<400xi32, #tpu.memory_space<vmem>>)
      %dma_start3A_609 = arith.constant 0 : i32
      %dma_start3A_610 = arith.constant 0 : i32
      %dma_start3A_611 = arith.constant 0 : i32
      %dma_start3A_612 = arith.constant 0 : i32
      %dma_start3A_613 = tpu.memref_slice %arg6[%dma_start3A_610, %dma_start3A_611, %dma_start3A_612] : memref<4x400x64xf32, #tpu.memory_space<vmem>> -> memref<1x400x64xf32, #tpu.memory_space<vmem>>
      %dma_start3A_614 = tpu.memref_squeeze %dma_start3A_613 : memref<1x400x64xf32, #tpu.memory_space<vmem>> -> memref<400x64xf32, #tpu.memory_space<vmem>>
      %dma_start3A_615 = arith.constant 0 : i32
      %dma_start3A_616 = tpu.memref_slice %arg5[%dma_start3A_609, %dma_start3A_615] : memref<4x400xi32, #tpu.memory_space<vmem>> -> memref<1x400xi32, #tpu.memory_space<vmem>>
      %dma_start3A_617 = tpu.memref_squeeze %dma_start3A_616 : memref<1x400xi32, #tpu.memory_space<vmem>> -> memref<400xi32, #tpu.memory_space<vmem>>
      %dma_start3A_618 = arith.constant 0 : i32
      %dma_start3A_619 = arith.constant 0 : i32
      %dma_start3A_620 = tpu.memref_slice %arg3[%dma_start3A_618, %dma_start3A_619] : memref<1000000x64xf32, #tpu.memory_space<hbm>> -> memref<1000000x64xf32, #tpu.memory_space<hbm>>
      tpu.enqueue_indirect_dma source(%dma_start3A_620 : memref<1000000x64xf32, #tpu.memory_space<hbm>>) target(%dma_start3A_614 : memref<400x64xf32, #tpu.memory_space<vmem>>) offsets(%dma_start3A_617 : memref<400xi32, #tpu.memory_space<vmem>>) semaphore(%arg11 : memref<!tpu.dma_semaphore, #tpu.memory_space<semaphore_mem>>)
      %add3A_621 = arith.constant 2 : i32
      %add3A_622 = arith.addi %add3A_586, %add3A_621 : i32
      %mul3A_623 = arith.constant 400 : i32
      %mul3A_624 = arith.muli %add3A_622, %mul3A_623 : i32
      %add3A_625 = arith.addi %mul3A_2, %mul3A_624 : i32
      %dma_start3A_626 = arith.constant 2 : i32
      %dma_start3A_627 = arith.constant 0 : i32
      %dma_start3A_628 = tpu.memref_slice %arg5[%dma_start3A_626, %dma_start3A_627] : memref<4x400xi32, #tpu.memory_space<vmem>> -> memref<1x400xi32, #tpu.memory_space<vmem>>
      %dma_start3A_629 = tpu.memref_squeeze %dma_start3A_628 : memref<1x400xi32, #tpu.memory_space<vmem>> -> memref<400xi32, #tpu.memory_space<vmem>>
      %dma_start3A_630 = tpu.memref_slice %arg2[%add3A_625] : memref<3276800xi32, #tpu.memory_space<hbm>> -> memref<400xi32, #tpu.memory_space<hbm>>
      %dma_start3A_631 = arith.constant 0 : i32
      %dma_start3A_632 = tpu.memref_slice %arg5[%dma_start3A_626, %dma_start3A_631] : memref<4x400xi32, #tpu.memory_space<vmem>> -> memref<1x400xi32, #tpu.memory_space<vmem>>
      %dma_start3A_633 = tpu.memref_squeeze %dma_start3A_632 : memref<1x400xi32, #tpu.memory_space<vmem>> -> memref<400xi32, #tpu.memory_space<vmem>>
      %dma_start3A_634 = tpu.memref_slice %arg2[%add3A_625] : memref<3276800xi32, #tpu.memory_space<hbm>> -> memref<400xi32, #tpu.memory_space<hbm>>
      tpu.enqueue_dma source(%dma_start3A_634 : memref<400xi32, #tpu.memory_space<hbm>>) target(%dma_start3A_633 : memref<400xi32, #tpu.memory_space<vmem>>) target_semaphore(%arg9 : memref<!tpu.dma_semaphore, #tpu.memory_space<semaphore_mem>>)
      %dma_wait3A_635 = arith.constant 3 : i32
      %dma_wait3A_636 = arith.constant 3 : i32
      %dma_wait3A_637 = arith.constant 0 : i32
      %dma_wait3A_638 = arith.constant 0 : i32
      %dma_wait3A_639 = tpu.memref_slice %arg6[%dma_wait3A_636, %dma_wait3A_637, %dma_wait3A_638] : memref<4x400x64xf32, #tpu.memory_space<vmem>> -> memref<1x400x64xf32, #tpu.memory_space<vmem>>
      %dma_wait3A_640 = tpu.memref_squeeze %dma_wait3A_639 : memref<1x400x64xf32, #tpu.memory_space<vmem>> -> memref<400x64xf32, #tpu.memory_space<vmem>>
      %dma_wait3A_641 = arith.constant 0 : i32
      %dma_wait3A_642 = tpu.memref_slice %arg5[%dma_wait3A_635, %dma_wait3A_641] : memref<4x400xi32, #tpu.memory_space<vmem>> -> memref<1x400xi32, #tpu.memory_space<vmem>>
      %dma_wait3A_643 = tpu.memref_squeeze %dma_wait3A_642 : memref<1x400xi32, #tpu.memory_space<vmem>> -> memref<400xi32, #tpu.memory_space<vmem>>
      %dma_wait3A_644 = arith.constant 0 : i32
      %dma_wait3A_645 = arith.constant 0 : i32
      %dma_wait3A_646 = tpu.memref_slice %arg3[%dma_wait3A_644, %dma_wait3A_645] : memref<1000000x64xf32, #tpu.memory_space<hbm>> -> memref<1000000x64xf32, #tpu.memory_space<hbm>>
      tpu.wait_indirect_dma semaphore(%arg14 : memref<!tpu.dma_semaphore, #tpu.memory_space<semaphore_mem>>) src(%dma_wait3A_646 : memref<1000000x64xf32, #tpu.memory_space<hbm>>) dst(%dma_wait3A_640 : memref<400x64xf32, #tpu.memory_space<vmem>>)
      %sub3A = arith.constant 1 : i32
      %sub3A_647 = arith.subi %add3A_586, %sub3A : i32
      %mul3A_648 = arith.constant 400 : i32
      %mul3A_649 = arith.muli %sub3A_647, %mul3A_648 : i32
      %add3A_650 = arith.addi %mul3A_2, %mul3A_649 : i32
      %dma_start3A_651 = arith.constant 3 : i32
      %dma_start3A_652 = arith.constant 0 : i32
      %dma_start3A_653 = arith.constant 0 : i32
      %dma_start3A_654 = tpu.memref_slice %arg6[%dma_start3A_651, %dma_start3A_652, %dma_start3A_653] : memref<4x400x64xf32, #tpu.memory_space<vmem>> -> memref<1x400x64xf32, #tpu.memory_space<vmem>>
      %dma_start3A_655 = tpu.memref_squeeze %dma_start3A_654 : memref<1x400x64xf32, #tpu.memory_space<vmem>> -> memref<400x64xf32, #tpu.memory_space<vmem>>
      %dma_start3A_656 = arith.constant 0 : i32
      %dma_start3A_657 = tpu.memref_slice %arg4[%add3A_650, %dma_start3A_656] : memref<3276800x128xf32, #tpu.memory_space<hbm>> -> memref<400x64xf32, #tpu.memory_space<hbm>>
      %dma_start3A_658 = arith.constant 0 : i32
      %dma_start3A_659 = tpu.memref_slice %arg4[%add3A_650, %dma_start3A_658] : memref<3276800x128xf32, #tpu.memory_space<hbm>> -> memref<400x64xf32, #tpu.memory_space<hbm>>
      %dma_start3A_660 = arith.constant 0 : i32
      %dma_start3A_661 = arith.constant 0 : i32
      %dma_start3A_662 = tpu.memref_slice %arg6[%dma_start3A_651, %dma_start3A_660, %dma_start3A_661] : memref<4x400x64xf32, #tpu.memory_space<vmem>> -> memref<1x400x64xf32, #tpu.memory_space<vmem>>
      %dma_start3A_663 = tpu.memref_squeeze %dma_start3A_662 : memref<1x400x64xf32, #tpu.memory_space<vmem>> -> memref<400x64xf32, #tpu.memory_space<vmem>>
      tpu.enqueue_dma source(%dma_start3A_663 : memref<400x64xf32, #tpu.memory_space<vmem>>) target(%dma_start3A_659 : memref<400x64xf32, #tpu.memory_space<hbm>>) target_semaphore(%arg18 : memref<!tpu.dma_semaphore, #tpu.memory_space<semaphore_mem>>)
      %add3A_664 = arith.constant 1 : i32
      %add3A_665 = arith.addi %mul3A_584, %add3A_664 : i32
      %dma_wait3A_666 = arith.constant 1 : i32
      %dma_wait3A_667 = arith.constant 0 : i32
      %dma_wait3A_668 = arith.constant 0 : i32
      %dma_wait3A_669 = tpu.memref_slice %arg6[%dma_wait3A_666, %dma_wait3A_667, %dma_wait3A_668] : memref<4x400x64xf32, #tpu.memory_space<vmem>> -> memref<1x400x64xf32, #tpu.memory_space<vmem>>
      %dma_wait3A_670 = tpu.memref_squeeze %dma_wait3A_669 : memref<1x400x64xf32, #tpu.memory_space<vmem>> -> memref<400x64xf32, #tpu.memory_space<vmem>>
      %dma_wait3A_671 = arith.constant 0 : i32
      %dma_wait3A_672 = tpu.memref_slice %arg4[%mul3A_2, %dma_wait3A_671] : memref<3276800x128xf32, #tpu.memory_space<hbm>> -> memref<400x64xf32, #tpu.memory_space<hbm>>
      %dma_wait3A_673 = arith.constant 0 : i32
      %dma_wait3A_674 = tpu.memref_slice %arg4[%mul3A_2, %dma_wait3A_673] : memref<3276800x128xf32, #tpu.memory_space<hbm>> -> memref<400x64xf32, #tpu.memory_space<hbm>>
      %dma_wait3A_675 = arith.constant 0 : i32
      %dma_wait3A_676 = arith.constant 0 : i32
      %dma_wait3A_677 = tpu.memref_slice %arg6[%dma_wait3A_666, %dma_wait3A_675, %dma_wait3A_676] : memref<4x400x64xf32, #tpu.memory_space<vmem>> -> memref<1x400x64xf32, #tpu.memory_space<vmem>>
      %dma_wait3A_678 = tpu.memref_squeeze %dma_wait3A_677 : memref<1x400x64xf32, #tpu.memory_space<vmem>> -> memref<400x64xf32, #tpu.memory_space<vmem>>
      tpu.wait_dma2 semaphore(%arg16 : memref<!tpu.dma_semaphore, #tpu.memory_space<semaphore_mem>>) src(%dma_wait3A_678 : memref<400x64xf32, #tpu.memory_space<vmem>>) dst(%dma_wait3A_674 : memref<400x64xf32, #tpu.memory_space<hbm>>)
      %dma_wait3A_679 = arith.constant 1 : i32
      %dma_wait3A_680 = arith.constant 0 : i32
      %dma_wait3A_681 = tpu.memref_slice %arg5[%dma_wait3A_679, %dma_wait3A_680] : memref<4x400xi32, #tpu.memory_space<vmem>> -> memref<1x400xi32, #tpu.memory_space<vmem>>
      %dma_wait3A_682 = tpu.memref_squeeze %dma_wait3A_681 : memref<1x400xi32, #tpu.memory_space<vmem>> -> memref<400xi32, #tpu.memory_space<vmem>>
      %dma_wait3A_683 = tpu.memref_slice %arg2[%mul3A_2] : memref<3276800xi32, #tpu.memory_space<hbm>> -> memref<400xi32, #tpu.memory_space<hbm>>
      %dma_wait3A_684 = arith.constant 0 : i32
      %dma_wait3A_685 = tpu.memref_slice %arg5[%dma_wait3A_679, %dma_wait3A_684] : memref<4x400xi32, #tpu.memory_space<vmem>> -> memref<1x400xi32, #tpu.memory_space<vmem>>
      %dma_wait3A_686 = tpu.memref_squeeze %dma_wait3A_685 : memref<1x400xi32, #tpu.memory_space<vmem>> -> memref<400xi32, #tpu.memory_space<vmem>>
      %dma_wait3A_687 = tpu.memref_slice %arg2[%mul3A_2] : memref<3276800xi32, #tpu.memory_space<hbm>> -> memref<400xi32, #tpu.memory_space<hbm>>
      tpu.wait_dma2 semaphore(%arg8 : memref<!tpu.dma_semaphore, #tpu.memory_space<semaphore_mem>>) src(%dma_wait3A_687 : memref<400xi32, #tpu.memory_space<hbm>>) dst(%dma_wait3A_686 : memref<400xi32, #tpu.memory_space<vmem>>)
      %dma_start3A_688 = arith.constant 1 : i32
      %dma_start3A_689 = arith.constant 1 : i32
      %dma_start3A_690 = arith.constant 0 : i32
      %dma_start3A_691 = arith.constant 0 : i32
      %dma_start3A_692 = tpu.memref_slice %arg6[%dma_start3A_689, %dma_start3A_690, %dma_start3A_691] : memref<4x400x64xf32, #tpu.memory_space<vmem>> -> memref<1x400x64xf32, #tpu.memory_space<vmem>>
      %dma_start3A_693 = tpu.memref_squeeze %dma_start3A_692 : memref<1x400x64xf32, #tpu.memory_space<vmem>> -> memref<400x64xf32, #tpu.memory_space<vmem>>
      %dma_start3A_694 = arith.constant 0 : i32
      %dma_start3A_695 = tpu.memref_slice %arg5[%dma_start3A_688, %dma_start3A_694] : memref<4x400xi32, #tpu.memory_space<vmem>> -> memref<1x400xi32, #tpu.memory_space<vmem>>
      %dma_start3A_696 = tpu.memref_squeeze %dma_start3A_695 : memref<1x400xi32, #tpu.memory_space<vmem>> -> memref<400xi32, #tpu.memory_space<vmem>>
      %dma_start3A_697 = arith.constant 0 : i32
      %dma_start3A_698 = arith.constant 0 : i32
      %dma_start3A_699 = tpu.memref_slice %arg3[%dma_start3A_697, %dma_start3A_698] : memref<1000000x64xf32, #tpu.memory_space<hbm>> -> memref<1000000x64xf32, #tpu.memory_space<hbm>>
      tpu.enqueue_indirect_dma source(%dma_start3A_699 : memref<1000000x64xf32, #tpu.memory_space<hbm>>) target(%dma_start3A_693 : memref<400x64xf32, #tpu.memory_space<vmem>>) offsets(%dma_start3A_696 : memref<400xi32, #tpu.memory_space<vmem>>) semaphore(%arg12 : memref<!tpu.dma_semaphore, #tpu.memory_space<semaphore_mem>>)
      %add3A_700 = arith.constant 2 : i32
      %add3A_701 = arith.addi %add3A_665, %add3A_700 : i32
      %mul3A_702 = arith.constant 400 : i32
      %mul3A_703 = arith.muli %add3A_701, %mul3A_702 : i32
      %add3A_704 = arith.addi %mul3A_2, %mul3A_703 : i32
      %dma_start3A_705 = arith.constant 3 : i32
      %dma_start3A_706 = arith.constant 0 : i32
      %dma_start3A_707 = tpu.memref_slice %arg5[%dma_start3A_705, %dma_start3A_706] : memref<4x400xi32, #tpu.memory_space<vmem>> -> memref<1x400xi32, #tpu.memory_space<vmem>>
      %dma_start3A_708 = tpu.memref_squeeze %dma_start3A_707 : memref<1x400xi32, #tpu.memory_space<vmem>> -> memref<400xi32, #tpu.memory_space<vmem>>
      %dma_start3A_709 = tpu.memref_slice %arg2[%add3A_704] : memref<3276800xi32, #tpu.memory_space<hbm>> -> memref<400xi32, #tpu.memory_space<hbm>>
      %dma_start3A_710 = arith.constant 0 : i32
      %dma_start3A_711 = tpu.memref_slice %arg5[%dma_start3A_705, %dma_start3A_710] : memref<4x400xi32, #tpu.memory_space<vmem>> -> memref<1x400xi32, #tpu.memory_space<vmem>>
      %dma_start3A_712 = tpu.memref_squeeze %dma_start3A_711 : memref<1x400xi32, #tpu.memory_space<vmem>> -> memref<400xi32, #tpu.memory_space<vmem>>
      %dma_start3A_713 = tpu.memref_slice %arg2[%add3A_704] : memref<3276800xi32, #tpu.memory_space<hbm>> -> memref<400xi32, #tpu.memory_space<hbm>>
      tpu.enqueue_dma source(%dma_start3A_713 : memref<400xi32, #tpu.memory_space<hbm>>) target(%dma_start3A_712 : memref<400xi32, #tpu.memory_space<vmem>>) target_semaphore(%arg10 : memref<!tpu.dma_semaphore, #tpu.memory_space<semaphore_mem>>)
      %dma_wait3A_714 = arith.constant 0 : i32
      %dma_wait3A_715 = arith.constant 0 : i32
      %dma_wait3A_716 = arith.constant 0 : i32
      %dma_wait3A_717 = arith.constant 0 : i32
      %dma_wait3A_718 = tpu.memref_slice %arg6[%dma_wait3A_715, %dma_wait3A_716, %dma_wait3A_717] : memref<4x400x64xf32, #tpu.memory_space<vmem>> -> memref<1x400x64xf32, #tpu.memory_space<vmem>>
      %dma_wait3A_719 = tpu.memref_squeeze %dma_wait3A_718 : memref<1x400x64xf32, #tpu.memory_space<vmem>> -> memref<400x64xf32, #tpu.memory_space<vmem>>
      %dma_wait3A_720 = arith.constant 0 : i32
      %dma_wait3A_721 = tpu.memref_slice %arg5[%dma_wait3A_714, %dma_wait3A_720] : memref<4x400xi32, #tpu.memory_space<vmem>> -> memref<1x400xi32, #tpu.memory_space<vmem>>
      %dma_wait3A_722 = tpu.memref_squeeze %dma_wait3A_721 : memref<1x400xi32, #tpu.memory_space<vmem>> -> memref<400xi32, #tpu.memory_space<vmem>>
      %dma_wait3A_723 = arith.constant 0 : i32
      %dma_wait3A_724 = arith.constant 0 : i32
      %dma_wait3A_725 = tpu.memref_slice %arg3[%dma_wait3A_723, %dma_wait3A_724] : memref<1000000x64xf32, #tpu.memory_space<hbm>> -> memref<1000000x64xf32, #tpu.memory_space<hbm>>
      tpu.wait_indirect_dma semaphore(%arg11 : memref<!tpu.dma_semaphore, #tpu.memory_space<semaphore_mem>>) src(%dma_wait3A_725 : memref<1000000x64xf32, #tpu.memory_space<hbm>>) dst(%dma_wait3A_719 : memref<400x64xf32, #tpu.memory_space<vmem>>)
      %sub3A_726 = arith.constant 1 : i32
      %sub3A_727 = arith.subi %add3A_665, %sub3A_726 : i32
      %mul3A_728 = arith.constant 400 : i32
      %mul3A_729 = arith.muli %sub3A_727, %mul3A_728 : i32
      %add3A_730 = arith.addi %mul3A_2, %mul3A_729 : i32
      %dma_start3A_731 = arith.constant 0 : i32
      %dma_start3A_732 = arith.constant 0 : i32
      %dma_start3A_733 = arith.constant 0 : i32
      %dma_start3A_734 = tpu.memref_slice %arg6[%dma_start3A_731, %dma_start3A_732, %dma_start3A_733] : memref<4x400x64xf32, #tpu.memory_space<vmem>> -> memref<1x400x64xf32, #tpu.memory_space<vmem>>
      %dma_start3A_735 = tpu.memref_squeeze %dma_start3A_734 : memref<1x400x64xf32, #tpu.memory_space<vmem>> -> memref<400x64xf32, #tpu.memory_space<vmem>>
      %dma_start3A_736 = arith.constant 0 : i32
      %dma_start3A_737 = tpu.memref_slice %arg4[%add3A_730, %dma_start3A_736] : memref<3276800x128xf32, #tpu.memory_space<hbm>> -> memref<400x64xf32, #tpu.memory_space<hbm>>
      %dma_start3A_738 = arith.constant 0 : i32
      %dma_start3A_739 = tpu.memref_slice %arg4[%add3A_730, %dma_start3A_738] : memref<3276800x128xf32, #tpu.memory_space<hbm>> -> memref<400x64xf32, #tpu.memory_space<hbm>>
      %dma_start3A_740 = arith.constant 0 : i32
      %dma_start3A_741 = arith.constant 0 : i32
      %dma_start3A_742 = tpu.memref_slice %arg6[%dma_start3A_731, %dma_start3A_740, %dma_start3A_741] : memref<4x400x64xf32, #tpu.memory_space<vmem>> -> memref<1x400x64xf32, #tpu.memory_space<vmem>>
      %dma_start3A_743 = tpu.memref_squeeze %dma_start3A_742 : memref<1x400x64xf32, #tpu.memory_space<vmem>> -> memref<400x64xf32, #tpu.memory_space<vmem>>
      tpu.enqueue_dma source(%dma_start3A_743 : memref<400x64xf32, #tpu.memory_space<vmem>>) target(%dma_start3A_739 : memref<400x64xf32, #tpu.memory_space<hbm>>) target_semaphore(%arg15 : memref<!tpu.dma_semaphore, #tpu.memory_space<semaphore_mem>>)
      %add3A_744 = arith.constant 2 : i32
      %add3A_745 = arith.addi %mul3A_584, %add3A_744 : i32
      %dma_wait3A_746 = arith.constant 2 : i32
      %dma_wait3A_747 = arith.constant 0 : i32
      %dma_wait3A_748 = arith.constant 0 : i32
      %dma_wait3A_749 = tpu.memref_slice %arg6[%dma_wait3A_746, %dma_wait3A_747, %dma_wait3A_748] : memref<4x400x64xf32, #tpu.memory_space<vmem>> -> memref<1x400x64xf32, #tpu.memory_space<vmem>>
      %dma_wait3A_750 = tpu.memref_squeeze %dma_wait3A_749 : memref<1x400x64xf32, #tpu.memory_space<vmem>> -> memref<400x64xf32, #tpu.memory_space<vmem>>
      %dma_wait3A_751 = arith.constant 0 : i32
      %dma_wait3A_752 = tpu.memref_slice %arg4[%mul3A_2, %dma_wait3A_751] : memref<3276800x128xf32, #tpu.memory_space<hbm>> -> memref<400x64xf32, #tpu.memory_space<hbm>>
      %dma_wait3A_753 = arith.constant 0 : i32
      %dma_wait3A_754 = tpu.memref_slice %arg4[%mul3A_2, %dma_wait3A_753] : memref<3276800x128xf32, #tpu.memory_space<hbm>> -> memref<400x64xf32, #tpu.memory_space<hbm>>
      %dma_wait3A_755 = arith.constant 0 : i32
      %dma_wait3A_756 = arith.constant 0 : i32
      %dma_wait3A_757 = tpu.memref_slice %arg6[%dma_wait3A_746, %dma_wait3A_755, %dma_wait3A_756] : memref<4x400x64xf32, #tpu.memory_space<vmem>> -> memref<1x400x64xf32, #tpu.memory_space<vmem>>
      %dma_wait3A_758 = tpu.memref_squeeze %dma_wait3A_757 : memref<1x400x64xf32, #tpu.memory_space<vmem>> -> memref<400x64xf32, #tpu.memory_space<vmem>>
      tpu.wait_dma2 semaphore(%arg17 : memref<!tpu.dma_semaphore, #tpu.memory_space<semaphore_mem>>) src(%dma_wait3A_758 : memref<400x64xf32, #tpu.memory_space<vmem>>) dst(%dma_wait3A_754 : memref<400x64xf32, #tpu.memory_space<hbm>>)
      %dma_wait3A_759 = arith.constant 2 : i32
      %dma_wait3A_760 = arith.constant 0 : i32
      %dma_wait3A_761 = tpu.memref_slice %arg5[%dma_wait3A_759, %dma_wait3A_760] : memref<4x400xi32, #tpu.memory_space<vmem>> -> memref<1x400xi32, #tpu.memory_space<vmem>>
      %dma_wait3A_762 = tpu.memref_squeeze %dma_wait3A_761 : memref<1x400xi32, #tpu.memory_space<vmem>> -> memref<400xi32, #tpu.memory_space<vmem>>
      %dma_wait3A_763 = tpu.memref_slice %arg2[%mul3A_2] : memref<3276800xi32, #tpu.memory_space<hbm>> -> memref<400xi32, #tpu.memory_space<hbm>>
      %dma_wait3A_764 = arith.constant 0 : i32
      %dma_wait3A_765 = tpu.memref_slice %arg5[%dma_wait3A_759, %dma_wait3A_764] : memref<4x400xi32, #tpu.memory_space<vmem>> -> memref<1x400xi32, #tpu.memory_space<vmem>>
      %dma_wait3A_766 = tpu.memref_squeeze %dma_wait3A_765 : memref<1x400xi32, #tpu.memory_space<vmem>> -> memref<400xi32, #tpu.memory_space<vmem>>
      %dma_wait3A_767 = tpu.memref_slice %arg2[%mul3A_2] : memref<3276800xi32, #tpu.memory_space<hbm>> -> memref<400xi32, #tpu.memory_space<hbm>>
      tpu.wait_dma2 semaphore(%arg9 : memref<!tpu.dma_semaphore, #tpu.memory_space<semaphore_mem>>) src(%dma_wait3A_767 : memref<400xi32, #tpu.memory_space<hbm>>) dst(%dma_wait3A_766 : memref<400xi32, #tpu.memory_space<vmem>>)
      %dma_start3A_768 = arith.constant 2 : i32
      %dma_start3A_769 = arith.constant 2 : i32
      %dma_start3A_770 = arith.constant 0 : i32
      %dma_start3A_771 = arith.constant 0 : i32
      %dma_start3A_772 = tpu.memref_slice %arg6[%dma_start3A_769, %dma_start3A_770, %dma_start3A_771] : memref<4x400x64xf32, #tpu.memory_space<vmem>> -> memref<1x400x64xf32, #tpu.memory_space<vmem>>
      %dma_start3A_773 = tpu.memref_squeeze %dma_start3A_772 : memref<1x400x64xf32, #tpu.memory_space<vmem>> -> memref<400x64xf32, #tpu.memory_space<vmem>>
      %dma_start3A_774 = arith.constant 0 : i32
      %dma_start3A_775 = tpu.memref_slice %arg5[%dma_start3A_768, %dma_start3A_774] : memref<4x400xi32, #tpu.memory_space<vmem>> -> memref<1x400xi32, #tpu.memory_space<vmem>>
      %dma_start3A_776 = tpu.memref_squeeze %dma_start3A_775 : memref<1x400xi32, #tpu.memory_space<vmem>> -> memref<400xi32, #tpu.memory_space<vmem>>
      %dma_start3A_777 = arith.constant 0 : i32
      %dma_start3A_778 = arith.constant 0 : i32
      %dma_start3A_779 = tpu.memref_slice %arg3[%dma_start3A_777, %dma_start3A_778] : memref<1000000x64xf32, #tpu.memory_space<hbm>> -> memref<1000000x64xf32, #tpu.memory_space<hbm>>
      tpu.enqueue_indirect_dma source(%dma_start3A_779 : memref<1000000x64xf32, #tpu.memory_space<hbm>>) target(%dma_start3A_773 : memref<400x64xf32, #tpu.memory_space<vmem>>) offsets(%dma_start3A_776 : memref<400xi32, #tpu.memory_space<vmem>>) semaphore(%arg13 : memref<!tpu.dma_semaphore, #tpu.memory_space<semaphore_mem>>)
      %add3A_780 = arith.constant 2 : i32
      %add3A_781 = arith.addi %add3A_745, %add3A_780 : i32
      %mul3A_782 = arith.constant 400 : i32
      %mul3A_783 = arith.muli %add3A_781, %mul3A_782 : i32
      %add3A_784 = arith.addi %mul3A_2, %mul3A_783 : i32
      %dma_start3A_785 = arith.constant 0 : i32
      %dma_start3A_786 = arith.constant 0 : i32
      %dma_start3A_787 = tpu.memref_slice %arg5[%dma_start3A_785, %dma_start3A_786] : memref<4x400xi32, #tpu.memory_space<vmem>> -> memref<1x400xi32, #tpu.memory_space<vmem>>
      %dma_start3A_788 = tpu.memref_squeeze %dma_start3A_787 : memref<1x400xi32, #tpu.memory_space<vmem>> -> memref<400xi32, #tpu.memory_space<vmem>>
      %dma_start3A_789 = tpu.memref_slice %arg2[%add3A_784] : memref<3276800xi32, #tpu.memory_space<hbm>> -> memref<400xi32, #tpu.memory_space<hbm>>
      %dma_start3A_790 = arith.constant 0 : i32
      %dma_start3A_791 = tpu.memref_slice %arg5[%dma_start3A_785, %dma_start3A_790] : memref<4x400xi32, #tpu.memory_space<vmem>> -> memref<1x400xi32, #tpu.memory_space<vmem>>
      %dma_start3A_792 = tpu.memref_squeeze %dma_start3A_791 : memref<1x400xi32, #tpu.memory_space<vmem>> -> memref<400xi32, #tpu.memory_space<vmem>>
      %dma_start3A_793 = tpu.memref_slice %arg2[%add3A_784] : memref<3276800xi32, #tpu.memory_space<hbm>> -> memref<400xi32, #tpu.memory_space<hbm>>
      tpu.enqueue_dma source(%dma_start3A_793 : memref<400xi32, #tpu.memory_space<hbm>>) target(%dma_start3A_792 : memref<400xi32, #tpu.memory_space<vmem>>) target_semaphore(%arg7 : memref<!tpu.dma_semaphore, #tpu.memory_space<semaphore_mem>>)
      %dma_wait3A_794 = arith.constant 1 : i32
      %dma_wait3A_795 = arith.constant 1 : i32
      %dma_wait3A_796 = arith.constant 0 : i32
      %dma_wait3A_797 = arith.constant 0 : i32
      %dma_wait3A_798 = tpu.memref_slice %arg6[%dma_wait3A_795, %dma_wait3A_796, %dma_wait3A_797] : memref<4x400x64xf32, #tpu.memory_space<vmem>> -> memref<1x400x64xf32, #tpu.memory_space<vmem>>
      %dma_wait3A_799 = tpu.memref_squeeze %dma_wait3A_798 : memref<1x400x64xf32, #tpu.memory_space<vmem>> -> memref<400x64xf32, #tpu.memory_space<vmem>>
      %dma_wait3A_800 = arith.constant 0 : i32
      %dma_wait3A_801 = tpu.memref_slice %arg5[%dma_wait3A_794, %dma_wait3A_800] : memref<4x400xi32, #tpu.memory_space<vmem>> -> memref<1x400xi32, #tpu.memory_space<vmem>>
      %dma_wait3A_802 = tpu.memref_squeeze %dma_wait3A_801 : memref<1x400xi32, #tpu.memory_space<vmem>> -> memref<400xi32, #tpu.memory_space<vmem>>
      %dma_wait3A_803 = arith.constant 0 : i32
      %dma_wait3A_804 = arith.constant 0 : i32
      %dma_wait3A_805 = tpu.memref_slice %arg3[%dma_wait3A_803, %dma_wait3A_804] : memref<1000000x64xf32, #tpu.memory_space<hbm>> -> memref<1000000x64xf32, #tpu.memory_space<hbm>>
      tpu.wait_indirect_dma semaphore(%arg12 : memref<!tpu.dma_semaphore, #tpu.memory_space<semaphore_mem>>) src(%dma_wait3A_805 : memref<1000000x64xf32, #tpu.memory_space<hbm>>) dst(%dma_wait3A_799 : memref<400x64xf32, #tpu.memory_space<vmem>>)
      %sub3A_806 = arith.constant 1 : i32
      %sub3A_807 = arith.subi %add3A_745, %sub3A_806 : i32
      %mul3A_808 = arith.constant 400 : i32
      %mul3A_809 = arith.muli %sub3A_807, %mul3A_808 : i32
      %add3A_810 = arith.addi %mul3A_2, %mul3A_809 : i32
      %dma_start3A_811 = arith.constant 1 : i32
      %dma_start3A_812 = arith.constant 0 : i32
      %dma_start3A_813 = arith.constant 0 : i32
      %dma_start3A_814 = tpu.memref_slice %arg6[%dma_start3A_811, %dma_start3A_812, %dma_start3A_813] : memref<4x400x64xf32, #tpu.memory_space<vmem>> -> memref<1x400x64xf32, #tpu.memory_space<vmem>>
      %dma_start3A_815 = tpu.memref_squeeze %dma_start3A_814 : memref<1x400x64xf32, #tpu.memory_space<vmem>> -> memref<400x64xf32, #tpu.memory_space<vmem>>
      %dma_start3A_816 = arith.constant 0 : i32
      %dma_start3A_817 = tpu.memref_slice %arg4[%add3A_810, %dma_start3A_816] : memref<3276800x128xf32, #tpu.memory_space<hbm>> -> memref<400x64xf32, #tpu.memory_space<hbm>>
      %dma_start3A_818 = arith.constant 0 : i32
      %dma_start3A_819 = tpu.memref_slice %arg4[%add3A_810, %dma_start3A_818] : memref<3276800x128xf32, #tpu.memory_space<hbm>> -> memref<400x64xf32, #tpu.memory_space<hbm>>
      %dma_start3A_820 = arith.constant 0 : i32
      %dma_start3A_821 = arith.constant 0 : i32
      %dma_start3A_822 = tpu.memref_slice %arg6[%dma_start3A_811, %dma_start3A_820, %dma_start3A_821] : memref<4x400x64xf32, #tpu.memory_space<vmem>> -> memref<1x400x64xf32, #tpu.memory_space<vmem>>
      %dma_start3A_823 = tpu.memref_squeeze %dma_start3A_822 : memref<1x400x64xf32, #tpu.memory_space<vmem>> -> memref<400x64xf32, #tpu.memory_space<vmem>>
      tpu.enqueue_dma source(%dma_start3A_823 : memref<400x64xf32, #tpu.memory_space<vmem>>) target(%dma_start3A_819 : memref<400x64xf32, #tpu.memory_space<hbm>>) target_semaphore(%arg16 : memref<!tpu.dma_semaphore, #tpu.memory_space<semaphore_mem>>)
      %add3A_824 = arith.constant 3 : i32
      %add3A_825 = arith.addi %mul3A_584, %add3A_824 : i32
      %dma_wait3A_826 = arith.constant 3 : i32
      %dma_wait3A_827 = arith.constant 0 : i32
      %dma_wait3A_828 = arith.constant 0 : i32
      %dma_wait3A_829 = tpu.memref_slice %arg6[%dma_wait3A_826, %dma_wait3A_827, %dma_wait3A_828] : memref<4x400x64xf32, #tpu.memory_space<vmem>> -> memref<1x400x64xf32, #tpu.memory_space<vmem>>
      %dma_wait3A_830 = tpu.memref_squeeze %dma_wait3A_829 : memref<1x400x64xf32, #tpu.memory_space<vmem>> -> memref<400x64xf32, #tpu.memory_space<vmem>>
      %dma_wait3A_831 = arith.constant 0 : i32
      %dma_wait3A_832 = tpu.memref_slice %arg4[%mul3A_2, %dma_wait3A_831] : memref<3276800x128xf32, #tpu.memory_space<hbm>> -> memref<400x64xf32, #tpu.memory_space<hbm>>
      %dma_wait3A_833 = arith.constant 0 : i32
      %dma_wait3A_834 = tpu.memref_slice %arg4[%mul3A_2, %dma_wait3A_833] : memref<3276800x128xf32, #tpu.memory_space<hbm>> -> memref<400x64xf32, #tpu.memory_space<hbm>>
      %dma_wait3A_835 = arith.constant 0 : i32
      %dma_wait3A_836 = arith.constant 0 : i32
      %dma_wait3A_837 = tpu.memref_slice %arg6[%dma_wait3A_826, %dma_wait3A_835, %dma_wait3A_836] : memref<4x400x64xf32, #tpu.memory_space<vmem>> -> memref<1x400x64xf32, #tpu.memory_space<vmem>>
      %dma_wait3A_838 = tpu.memref_squeeze %dma_wait3A_837 : memref<1x400x64xf32, #tpu.memory_space<vmem>> -> memref<400x64xf32, #tpu.memory_space<vmem>>
      tpu.wait_dma2 semaphore(%arg18 : memref<!tpu.dma_semaphore, #tpu.memory_space<semaphore_mem>>) src(%dma_wait3A_838 : memref<400x64xf32, #tpu.memory_space<vmem>>) dst(%dma_wait3A_834 : memref<400x64xf32, #tpu.memory_space<hbm>>)
      %dma_wait3A_839 = arith.constant 3 : i32
      %dma_wait3A_840 = arith.constant 0 : i32
      %dma_wait3A_841 = tpu.memref_slice %arg5[%dma_wait3A_839, %dma_wait3A_840] : memref<4x400xi32, #tpu.memory_space<vmem>> -> memref<1x400xi32, #tpu.memory_space<vmem>>
      %dma_wait3A_842 = tpu.memref_squeeze %dma_wait3A_841 : memref<1x400xi32, #tpu.memory_space<vmem>> -> memref<400xi32, #tpu.memory_space<vmem>>
      %dma_wait3A_843 = tpu.memref_slice %arg2[%mul3A_2] : memref<3276800xi32, #tpu.memory_space<hbm>> -> memref<400xi32, #tpu.memory_space<hbm>>
      %dma_wait3A_844 = arith.constant 0 : i32
      %dma_wait3A_845 = tpu.memref_slice %arg5[%dma_wait3A_839, %dma_wait3A_844] : memref<4x400xi32, #tpu.memory_space<vmem>> -> memref<1x400xi32, #tpu.memory_space<vmem>>
      %dma_wait3A_846 = tpu.memref_squeeze %dma_wait3A_845 : memref<1x400xi32, #tpu.memory_space<vmem>> -> memref<400xi32, #tpu.memory_space<vmem>>
      %dma_wait3A_847 = tpu.memref_slice %arg2[%mul3A_2] : memref<3276800xi32, #tpu.memory_space<hbm>> -> memref<400xi32, #tpu.memory_space<hbm>>
      tpu.wait_dma2 semaphore(%arg10 : memref<!tpu.dma_semaphore, #tpu.memory_space<semaphore_mem>>) src(%dma_wait3A_847 : memref<400xi32, #tpu.memory_space<hbm>>) dst(%dma_wait3A_846 : memref<400xi32, #tpu.memory_space<vmem>>)
      %dma_start3A_848 = arith.constant 3 : i32
      %dma_start3A_849 = arith.constant 3 : i32
      %dma_start3A_850 = arith.constant 0 : i32
      %dma_start3A_851 = arith.constant 0 : i32
      %dma_start3A_852 = tpu.memref_slice %arg6[%dma_start3A_849, %dma_start3A_850, %dma_start3A_851] : memref<4x400x64xf32, #tpu.memory_space<vmem>> -> memref<1x400x64xf32, #tpu.memory_space<vmem>>
      %dma_start3A_853 = tpu.memref_squeeze %dma_start3A_852 : memref<1x400x64xf32, #tpu.memory_space<vmem>> -> memref<400x64xf32, #tpu.memory_space<vmem>>
      %dma_start3A_854 = arith.constant 0 : i32
      %dma_start3A_855 = tpu.memref_slice %arg5[%dma_start3A_848, %dma_start3A_854] : memref<4x400xi32, #tpu.memory_space<vmem>> -> memref<1x400xi32, #tpu.memory_space<vmem>>
      %dma_start3A_856 = tpu.memref_squeeze %dma_start3A_855 : memref<1x400xi32, #tpu.memory_space<vmem>> -> memref<400xi32, #tpu.memory_space<vmem>>
      %dma_start3A_857 = arith.constant 0 : i32
      %dma_start3A_858 = arith.constant 0 : i32
      %dma_start3A_859 = tpu.memref_slice %arg3[%dma_start3A_857, %dma_start3A_858] : memref<1000000x64xf32, #tpu.memory_space<hbm>> -> memref<1000000x64xf32, #tpu.memory_space<hbm>>
      tpu.enqueue_indirect_dma source(%dma_start3A_859 : memref<1000000x64xf32, #tpu.memory_space<hbm>>) target(%dma_start3A_853 : memref<400x64xf32, #tpu.memory_space<vmem>>) offsets(%dma_start3A_856 : memref<400xi32, #tpu.memory_space<vmem>>) semaphore(%arg14 : memref<!tpu.dma_semaphore, #tpu.memory_space<semaphore_mem>>)
      %add3A_860 = arith.constant 2 : i32
      %add3A_861 = arith.addi %add3A_825, %add3A_860 : i32
      %mul3A_862 = arith.constant 400 : i32
      %mul3A_863 = arith.muli %add3A_861, %mul3A_862 : i32
      %add3A_864 = arith.addi %mul3A_2, %mul3A_863 : i32
      %dma_start3A_865 = arith.constant 1 : i32
      %dma_start3A_866 = arith.constant 0 : i32
      %dma_start3A_867 = tpu.memref_slice %arg5[%dma_start3A_865, %dma_start3A_866] : memref<4x400xi32, #tpu.memory_space<vmem>> -> memref<1x400xi32, #tpu.memory_space<vmem>>
      %dma_start3A_868 = tpu.memref_squeeze %dma_start3A_867 : memref<1x400xi32, #tpu.memory_space<vmem>> -> memref<400xi32, #tpu.memory_space<vmem>>
      %dma_start3A_869 = tpu.memref_slice %arg2[%add3A_864] : memref<3276800xi32, #tpu.memory_space<hbm>> -> memref<400xi32, #tpu.memory_space<hbm>>
      %dma_start3A_870 = arith.constant 0 : i32
      %dma_start3A_871 = tpu.memref_slice %arg5[%dma_start3A_865, %dma_start3A_870] : memref<4x400xi32, #tpu.memory_space<vmem>> -> memref<1x400xi32, #tpu.memory_space<vmem>>
      %dma_start3A_872 = tpu.memref_squeeze %dma_start3A_871 : memref<1x400xi32, #tpu.memory_space<vmem>> -> memref<400xi32, #tpu.memory_space<vmem>>
      %dma_start3A_873 = tpu.memref_slice %arg2[%add3A_864] : memref<3276800xi32, #tpu.memory_space<hbm>> -> memref<400xi32, #tpu.memory_space<hbm>>
      tpu.enqueue_dma source(%dma_start3A_873 : memref<400xi32, #tpu.memory_space<hbm>>) target(%dma_start3A_872 : memref<400xi32, #tpu.memory_space<vmem>>) target_semaphore(%arg8 : memref<!tpu.dma_semaphore, #tpu.memory_space<semaphore_mem>>)
      %dma_wait3A_874 = arith.constant 2 : i32
      %dma_wait3A_875 = arith.constant 2 : i32
      %dma_wait3A_876 = arith.constant 0 : i32
      %dma_wait3A_877 = arith.constant 0 : i32
      %dma_wait3A_878 = tpu.memref_slice %arg6[%dma_wait3A_875, %dma_wait3A_876, %dma_wait3A_877] : memref<4x400x64xf32, #tpu.memory_space<vmem>> -> memref<1x400x64xf32, #tpu.memory_space<vmem>>
      %dma_wait3A_879 = tpu.memref_squeeze %dma_wait3A_878 : memref<1x400x64xf32, #tpu.memory_space<vmem>> -> memref<400x64xf32, #tpu.memory_space<vmem>>
      %dma_wait3A_880 = arith.constant 0 : i32
      %dma_wait3A_881 = tpu.memref_slice %arg5[%dma_wait3A_874, %dma_wait3A_880] : memref<4x400xi32, #tpu.memory_space<vmem>> -> memref<1x400xi32, #tpu.memory_space<vmem>>
      %dma_wait3A_882 = tpu.memref_squeeze %dma_wait3A_881 : memref<1x400xi32, #tpu.memory_space<vmem>> -> memref<400xi32, #tpu.memory_space<vmem>>
      %dma_wait3A_883 = arith.constant 0 : i32
      %dma_wait3A_884 = arith.constant 0 : i32
      %dma_wait3A_885 = tpu.memref_slice %arg3[%dma_wait3A_883, %dma_wait3A_884] : memref<1000000x64xf32, #tpu.memory_space<hbm>> -> memref<1000000x64xf32, #tpu.memory_space<hbm>>
      tpu.wait_indirect_dma semaphore(%arg13 : memref<!tpu.dma_semaphore, #tpu.memory_space<semaphore_mem>>) src(%dma_wait3A_885 : memref<1000000x64xf32, #tpu.memory_space<hbm>>) dst(%dma_wait3A_879 : memref<400x64xf32, #tpu.memory_space<vmem>>)
      %sub3A_886 = arith.constant 1 : i32
      %sub3A_887 = arith.subi %add3A_825, %sub3A_886 : i32
      %mul3A_888 = arith.constant 400 : i32
      %mul3A_889 = arith.muli %sub3A_887, %mul3A_888 : i32
      %add3A_890 = arith.addi %mul3A_2, %mul3A_889 : i32
      %dma_start3A_891 = arith.constant 2 : i32
      %dma_start3A_892 = arith.constant 0 : i32
      %dma_start3A_893 = arith.constant 0 : i32
      %dma_start3A_894 = tpu.memref_slice %arg6[%dma_start3A_891, %dma_start3A_892, %dma_start3A_893] : memref<4x400x64xf32, #tpu.memory_space<vmem>> -> memref<1x400x64xf32, #tpu.memory_space<vmem>>
      %dma_start3A_895 = tpu.memref_squeeze %dma_start3A_894 : memref<1x400x64xf32, #tpu.memory_space<vmem>> -> memref<400x64xf32, #tpu.memory_space<vmem>>
      %dma_start3A_896 = arith.constant 0 : i32
      %dma_start3A_897 = tpu.memref_slice %arg4[%add3A_890, %dma_start3A_896] : memref<3276800x128xf32, #tpu.memory_space<hbm>> -> memref<400x64xf32, #tpu.memory_space<hbm>>
      %dma_start3A_898 = arith.constant 0 : i32
      %dma_start3A_899 = tpu.memref_slice %arg4[%add3A_890, %dma_start3A_898] : memref<3276800x128xf32, #tpu.memory_space<hbm>> -> memref<400x64xf32, #tpu.memory_space<hbm>>
      %dma_start3A_900 = arith.constant 0 : i32
      %dma_start3A_901 = arith.constant 0 : i32
      %dma_start3A_902 = tpu.memref_slice %arg6[%dma_start3A_891, %dma_start3A_900, %dma_start3A_901] : memref<4x400x64xf32, #tpu.memory_space<vmem>> -> memref<1x400x64xf32, #tpu.memory_space<vmem>>
      %dma_start3A_903 = tpu.memref_squeeze %dma_start3A_902 : memref<1x400x64xf32, #tpu.memory_space<vmem>> -> memref<400x64xf32, #tpu.memory_space<vmem>>
      tpu.enqueue_dma source(%dma_start3A_903 : memref<400x64xf32, #tpu.memory_space<vmem>>) target(%dma_start3A_899 : memref<400x64xf32, #tpu.memory_space<hbm>>) target_semaphore(%arg17 : memref<!tpu.dma_semaphore, #tpu.memory_space<semaphore_mem>>)
    }
    %scan3A_236 = arith.constant 62 : i32
    %dma_wait3A_237 = arith.constant 0 : i32
    %dma_wait3A_238 = arith.constant 0 : i32
    %dma_wait3A_239 = arith.constant 0 : i32
    %dma_wait3A_240 = tpu.memref_slice %arg6[%dma_wait3A_237, %dma_wait3A_238, %dma_wait3A_239] : memref<4x400x64xf32, #tpu.memory_space<vmem>> -> memref<1x400x64xf32, #tpu.memory_space<vmem>>
    %dma_wait3A_241 = tpu.memref_squeeze %dma_wait3A_240 : memref<1x400x64xf32, #tpu.memory_space<vmem>> -> memref<400x64xf32, #tpu.memory_space<vmem>>
    %dma_wait3A_242 = arith.constant 0 : i32
    %dma_wait3A_243 = tpu.memref_slice %arg4[%mul3A_2, %dma_wait3A_242] : memref<3276800x128xf32, #tpu.memory_space<hbm>> -> memref<400x64xf32, #tpu.memory_space<hbm>>
    %dma_wait3A_244 = arith.constant 0 : i32
    %dma_wait3A_245 = tpu.memref_slice %arg4[%mul3A_2, %dma_wait3A_244] : memref<3276800x128xf32, #tpu.memory_space<hbm>> -> memref<400x64xf32, #tpu.memory_space<hbm>>
    %dma_wait3A_246 = arith.constant 0 : i32
    %dma_wait3A_247 = arith.constant 0 : i32
    %dma_wait3A_248 = tpu.memref_slice %arg6[%dma_wait3A_237, %dma_wait3A_246, %dma_wait3A_247] : memref<4x400x64xf32, #tpu.memory_space<vmem>> -> memref<1x400x64xf32, #tpu.memory_space<vmem>>
    %dma_wait3A_249 = tpu.memref_squeeze %dma_wait3A_248 : memref<1x400x64xf32, #tpu.memory_space<vmem>> -> memref<400x64xf32, #tpu.memory_space<vmem>>
    tpu.wait_dma2 semaphore(%arg15 : memref<!tpu.dma_semaphore, #tpu.memory_space<semaphore_mem>>) src(%dma_wait3A_249 : memref<400x64xf32, #tpu.memory_space<vmem>>) dst(%dma_wait3A_245 : memref<400x64xf32, #tpu.memory_space<hbm>>)
    %dma_wait3A_250 = arith.constant 0 : i32
    %dma_wait3A_251 = arith.constant 0 : i32
    %dma_wait3A_252 = tpu.memref_slice %arg5[%dma_wait3A_250, %dma_wait3A_251] : memref<4x400xi32, #tpu.memory_space<vmem>> -> memref<1x400xi32, #tpu.memory_space<vmem>>
    %dma_wait3A_253 = tpu.memref_squeeze %dma_wait3A_252 : memref<1x400xi32, #tpu.memory_space<vmem>> -> memref<400xi32, #tpu.memory_space<vmem>>
    %dma_wait3A_254 = tpu.memref_slice %arg2[%mul3A_2] : memref<3276800xi32, #tpu.memory_space<hbm>> -> memref<400xi32, #tpu.memory_space<hbm>>
    %dma_wait3A_255 = arith.constant 0 : i32
    %dma_wait3A_256 = tpu.memref_slice %arg5[%dma_wait3A_250, %dma_wait3A_255] : memref<4x400xi32, #tpu.memory_space<vmem>> -> memref<1x400xi32, #tpu.memory_space<vmem>>
    %dma_wait3A_257 = tpu.memref_squeeze %dma_wait3A_256 : memref<1x400xi32, #tpu.memory_space<vmem>> -> memref<400xi32, #tpu.memory_space<vmem>>
    %dma_wait3A_258 = tpu.memref_slice %arg2[%mul3A_2] : memref<3276800xi32, #tpu.memory_space<hbm>> -> memref<400xi32, #tpu.memory_space<hbm>>
    tpu.wait_dma2 semaphore(%arg7 : memref<!tpu.dma_semaphore, #tpu.memory_space<semaphore_mem>>) src(%dma_wait3A_258 : memref<400xi32, #tpu.memory_space<hbm>>) dst(%dma_wait3A_257 : memref<400xi32, #tpu.memory_space<vmem>>)
    %dma_start3A_259 = arith.constant 0 : i32
    %dma_start3A_260 = arith.constant 0 : i32
    %dma_start3A_261 = arith.constant 0 : i32
    %dma_start3A_262 = arith.constant 0 : i32
    %dma_start3A_263 = tpu.memref_slice %arg6[%dma_start3A_260, %dma_start3A_261, %dma_start3A_262] : memref<4x400x64xf32, #tpu.memory_space<vmem>> -> memref<1x400x64xf32, #tpu.memory_space<vmem>>
    %dma_start3A_264 = tpu.memref_squeeze %dma_start3A_263 : memref<1x400x64xf32, #tpu.memory_space<vmem>> -> memref<400x64xf32, #tpu.memory_space<vmem>>
    %dma_start3A_265 = arith.constant 0 : i32
    %dma_start3A_266 = tpu.memref_slice %arg5[%dma_start3A_259, %dma_start3A_265] : memref<4x400xi32, #tpu.memory_space<vmem>> -> memref<1x400xi32, #tpu.memory_space<vmem>>
    %dma_start3A_267 = tpu.memref_squeeze %dma_start3A_266 : memref<1x400xi32, #tpu.memory_space<vmem>> -> memref<400xi32, #tpu.memory_space<vmem>>
    %dma_start3A_268 = arith.constant 0 : i32
    %dma_start3A_269 = arith.constant 0 : i32
    %dma_start3A_270 = tpu.memref_slice %arg3[%dma_start3A_268, %dma_start3A_269] : memref<1000000x64xf32, #tpu.memory_space<hbm>> -> memref<1000000x64xf32, #tpu.memory_space<hbm>>
    tpu.enqueue_indirect_dma source(%dma_start3A_270 : memref<1000000x64xf32, #tpu.memory_space<hbm>>) target(%dma_start3A_264 : memref<400x64xf32, #tpu.memory_space<vmem>>) offsets(%dma_start3A_267 : memref<400xi32, #tpu.memory_space<vmem>>) semaphore(%arg11 : memref<!tpu.dma_semaphore, #tpu.memory_space<semaphore_mem>>)
    %add3A_271 = arith.constant 101600 : i32
    %add3A_272 = arith.addi %mul3A_2, %add3A_271 : i32
    %dma_start3A_273 = arith.constant 2 : i32
    %dma_start3A_274 = arith.constant 0 : i32
    %dma_start3A_275 = tpu.memref_slice %arg5[%dma_start3A_273, %dma_start3A_274] : memref<4x400xi32, #tpu.memory_space<vmem>> -> memref<1x400xi32, #tpu.memory_space<vmem>>
    %dma_start3A_276 = tpu.memref_squeeze %dma_start3A_275 : memref<1x400xi32, #tpu.memory_space<vmem>> -> memref<400xi32, #tpu.memory_space<vmem>>
    %dma_start3A_277 = tpu.memref_slice %arg2[%add3A_272] : memref<3276800xi32, #tpu.memory_space<hbm>> -> memref<400xi32, #tpu.memory_space<hbm>>
    %dma_start3A_278 = arith.constant 0 : i32
    %dma_start3A_279 = tpu.memref_slice %arg5[%dma_start3A_273, %dma_start3A_278] : memref<4x400xi32, #tpu.memory_space<vmem>> -> memref<1x400xi32, #tpu.memory_space<vmem>>
    %dma_start3A_280 = tpu.memref_squeeze %dma_start3A_279 : memref<1x400xi32, #tpu.memory_space<vmem>> -> memref<400xi32, #tpu.memory_space<vmem>>
    %dma_start3A_281 = tpu.memref_slice %arg2[%add3A_272] : memref<3276800xi32, #tpu.memory_space<hbm>> -> memref<400xi32, #tpu.memory_space<hbm>>
    tpu.enqueue_dma source(%dma_start3A_281 : memref<400xi32, #tpu.memory_space<hbm>>) target(%dma_start3A_280 : memref<400xi32, #tpu.memory_space<vmem>>) target_semaphore(%arg9 : memref<!tpu.dma_semaphore, #tpu.memory_space<semaphore_mem>>)
    %dma_wait3A_282 = arith.constant 3 : i32
    %dma_wait3A_283 = arith.constant 3 : i32
    %dma_wait3A_284 = arith.constant 0 : i32
    %dma_wait3A_285 = arith.constant 0 : i32
    %dma_wait3A_286 = tpu.memref_slice %arg6[%dma_wait3A_283, %dma_wait3A_284, %dma_wait3A_285] : memref<4x400x64xf32, #tpu.memory_space<vmem>> -> memref<1x400x64xf32, #tpu.memory_space<vmem>>
    %dma_wait3A_287 = tpu.memref_squeeze %dma_wait3A_286 : memref<1x400x64xf32, #tpu.memory_space<vmem>> -> memref<400x64xf32, #tpu.memory_space<vmem>>
    %dma_wait3A_288 = arith.constant 0 : i32
    %dma_wait3A_289 = tpu.memref_slice %arg5[%dma_wait3A_282, %dma_wait3A_288] : memref<4x400xi32, #tpu.memory_space<vmem>> -> memref<1x400xi32, #tpu.memory_space<vmem>>
    %dma_wait3A_290 = tpu.memref_squeeze %dma_wait3A_289 : memref<1x400xi32, #tpu.memory_space<vmem>> -> memref<400xi32, #tpu.memory_space<vmem>>
    %dma_wait3A_291 = arith.constant 0 : i32
    %dma_wait3A_292 = arith.constant 0 : i32
    %dma_wait3A_293 = tpu.memref_slice %arg3[%dma_wait3A_291, %dma_wait3A_292] : memref<1000000x64xf32, #tpu.memory_space<hbm>> -> memref<1000000x64xf32, #tpu.memory_space<hbm>>
    tpu.wait_indirect_dma semaphore(%arg14 : memref<!tpu.dma_semaphore, #tpu.memory_space<semaphore_mem>>) src(%dma_wait3A_293 : memref<1000000x64xf32, #tpu.memory_space<hbm>>) dst(%dma_wait3A_287 : memref<400x64xf32, #tpu.memory_space<vmem>>)
    %add3A_294 = arith.constant 100400 : i32
    %add3A_295 = arith.addi %mul3A_2, %add3A_294 : i32
    %dma_start3A_296 = arith.constant 3 : i32
    %dma_start3A_297 = arith.constant 0 : i32
    %dma_start3A_298 = arith.constant 0 : i32
    %dma_start3A_299 = tpu.memref_slice %arg6[%dma_start3A_296, %dma_start3A_297, %dma_start3A_298] : memref<4x400x64xf32, #tpu.memory_space<vmem>> -> memref<1x400x64xf32, #tpu.memory_space<vmem>>
    %dma_start3A_300 = tpu.memref_squeeze %dma_start3A_299 : memref<1x400x64xf32, #tpu.memory_space<vmem>> -> memref<400x64xf32, #tpu.memory_space<vmem>>
    %dma_start3A_301 = arith.constant 0 : i32
    %dma_start3A_302 = tpu.memref_slice %arg4[%add3A_295, %dma_start3A_301] : memref<3276800x128xf32, #tpu.memory_space<hbm>> -> memref<400x64xf32, #tpu.memory_space<hbm>>
    %dma_start3A_303 = arith.constant 0 : i32
    %dma_start3A_304 = tpu.memref_slice %arg4[%add3A_295, %dma_start3A_303] : memref<3276800x128xf32, #tpu.memory_space<hbm>> -> memref<400x64xf32, #tpu.memory_space<hbm>>
    %dma_start3A_305 = arith.constant 0 : i32
    %dma_start3A_306 = arith.constant 0 : i32
    %dma_start3A_307 = tpu.memref_slice %arg6[%dma_start3A_296, %dma_start3A_305, %dma_start3A_306] : memref<4x400x64xf32, #tpu.memory_space<vmem>> -> memref<1x400x64xf32, #tpu.memory_space<vmem>>
    %dma_start3A_308 = tpu.memref_squeeze %dma_start3A_307 : memref<1x400x64xf32, #tpu.memory_space<vmem>> -> memref<400x64xf32, #tpu.memory_space<vmem>>
    tpu.enqueue_dma source(%dma_start3A_308 : memref<400x64xf32, #tpu.memory_space<vmem>>) target(%dma_start3A_304 : memref<400x64xf32, #tpu.memory_space<hbm>>) target_semaphore(%arg18 : memref<!tpu.dma_semaphore, #tpu.memory_space<semaphore_mem>>)
    %dma_wait3A_309 = arith.constant 1 : i32
    %dma_wait3A_310 = arith.constant 0 : i32
    %dma_wait3A_311 = arith.constant 0 : i32
    %dma_wait3A_312 = tpu.memref_slice %arg6[%dma_wait3A_309, %dma_wait3A_310, %dma_wait3A_311] : memref<4x400x64xf32, #tpu.memory_space<vmem>> -> memref<1x400x64xf32, #tpu.memory_space<vmem>>
    %dma_wait3A_313 = tpu.memref_squeeze %dma_wait3A_312 : memref<1x400x64xf32, #tpu.memory_space<vmem>> -> memref<400x64xf32, #tpu.memory_space<vmem>>
    %dma_wait3A_314 = arith.constant 0 : i32
    %dma_wait3A_315 = tpu.memref_slice %arg4[%mul3A_2, %dma_wait3A_314] : memref<3276800x128xf32, #tpu.memory_space<hbm>> -> memref<400x64xf32, #tpu.memory_space<hbm>>
    %dma_wait3A_316 = arith.constant 0 : i32
    %dma_wait3A_317 = tpu.memref_slice %arg4[%mul3A_2, %dma_wait3A_316] : memref<3276800x128xf32, #tpu.memory_space<hbm>> -> memref<400x64xf32, #tpu.memory_space<hbm>>
    %dma_wait3A_318 = arith.constant 0 : i32
    %dma_wait3A_319 = arith.constant 0 : i32
    %dma_wait3A_320 = tpu.memref_slice %arg6[%dma_wait3A_309, %dma_wait3A_318, %dma_wait3A_319] : memref<4x400x64xf32, #tpu.memory_space<vmem>> -> memref<1x400x64xf32, #tpu.memory_space<vmem>>
    %dma_wait3A_321 = tpu.memref_squeeze %dma_wait3A_320 : memref<1x400x64xf32, #tpu.memory_space<vmem>> -> memref<400x64xf32, #tpu.memory_space<vmem>>
    tpu.wait_dma2 semaphore(%arg16 : memref<!tpu.dma_semaphore, #tpu.memory_space<semaphore_mem>>) src(%dma_wait3A_321 : memref<400x64xf32, #tpu.memory_space<vmem>>) dst(%dma_wait3A_317 : memref<400x64xf32, #tpu.memory_space<hbm>>)
    %dma_wait3A_322 = arith.constant 1 : i32
    %dma_wait3A_323 = arith.constant 0 : i32
    %dma_wait3A_324 = tpu.memref_slice %arg5[%dma_wait3A_322, %dma_wait3A_323] : memref<4x400xi32, #tpu.memory_space<vmem>> -> memref<1x400xi32, #tpu.memory_space<vmem>>
    %dma_wait3A_325 = tpu.memref_squeeze %dma_wait3A_324 : memref<1x400xi32, #tpu.memory_space<vmem>> -> memref<400xi32, #tpu.memory_space<vmem>>
    %dma_wait3A_326 = tpu.memref_slice %arg2[%mul3A_2] : memref<3276800xi32, #tpu.memory_space<hbm>> -> memref<400xi32, #tpu.memory_space<hbm>>
    %dma_wait3A_327 = arith.constant 0 : i32
    %dma_wait3A_328 = tpu.memref_slice %arg5[%dma_wait3A_322, %dma_wait3A_327] : memref<4x400xi32, #tpu.memory_space<vmem>> -> memref<1x400xi32, #tpu.memory_space<vmem>>
    %dma_wait3A_329 = tpu.memref_squeeze %dma_wait3A_328 : memref<1x400xi32, #tpu.memory_space<vmem>> -> memref<400xi32, #tpu.memory_space<vmem>>
    %dma_wait3A_330 = tpu.memref_slice %arg2[%mul3A_2] : memref<3276800xi32, #tpu.memory_space<hbm>> -> memref<400xi32, #tpu.memory_space<hbm>>
    tpu.wait_dma2 semaphore(%arg8 : memref<!tpu.dma_semaphore, #tpu.memory_space<semaphore_mem>>) src(%dma_wait3A_330 : memref<400xi32, #tpu.memory_space<hbm>>) dst(%dma_wait3A_329 : memref<400xi32, #tpu.memory_space<vmem>>)
    %dma_start3A_331 = arith.constant 1 : i32
    %dma_start3A_332 = arith.constant 1 : i32
    %dma_start3A_333 = arith.constant 0 : i32
    %dma_start3A_334 = arith.constant 0 : i32
    %dma_start3A_335 = tpu.memref_slice %arg6[%dma_start3A_332, %dma_start3A_333, %dma_start3A_334] : memref<4x400x64xf32, #tpu.memory_space<vmem>> -> memref<1x400x64xf32, #tpu.memory_space<vmem>>
    %dma_start3A_336 = tpu.memref_squeeze %dma_start3A_335 : memref<1x400x64xf32, #tpu.memory_space<vmem>> -> memref<400x64xf32, #tpu.memory_space<vmem>>
    %dma_start3A_337 = arith.constant 0 : i32
    %dma_start3A_338 = tpu.memref_slice %arg5[%dma_start3A_331, %dma_start3A_337] : memref<4x400xi32, #tpu.memory_space<vmem>> -> memref<1x400xi32, #tpu.memory_space<vmem>>
    %dma_start3A_339 = tpu.memref_squeeze %dma_start3A_338 : memref<1x400xi32, #tpu.memory_space<vmem>> -> memref<400xi32, #tpu.memory_space<vmem>>
    %dma_start3A_340 = arith.constant 0 : i32
    %dma_start3A_341 = arith.constant 0 : i32
    %dma_start3A_342 = tpu.memref_slice %arg3[%dma_start3A_340, %dma_start3A_341] : memref<1000000x64xf32, #tpu.memory_space<hbm>> -> memref<1000000x64xf32, #tpu.memory_space<hbm>>
    tpu.enqueue_indirect_dma source(%dma_start3A_342 : memref<1000000x64xf32, #tpu.memory_space<hbm>>) target(%dma_start3A_336 : memref<400x64xf32, #tpu.memory_space<vmem>>) offsets(%dma_start3A_339 : memref<400xi32, #tpu.memory_space<vmem>>) semaphore(%arg12 : memref<!tpu.dma_semaphore, #tpu.memory_space<semaphore_mem>>)
    %add3A_343 = arith.constant 102000 : i32
    %add3A_344 = arith.addi %mul3A_2, %add3A_343 : i32
    %dma_start3A_345 = arith.constant 3 : i32
    %dma_start3A_346 = arith.constant 0 : i32
    %dma_start3A_347 = tpu.memref_slice %arg5[%dma_start3A_345, %dma_start3A_346] : memref<4x400xi32, #tpu.memory_space<vmem>> -> memref<1x400xi32, #tpu.memory_space<vmem>>
    %dma_start3A_348 = tpu.memref_squeeze %dma_start3A_347 : memref<1x400xi32, #tpu.memory_space<vmem>> -> memref<400xi32, #tpu.memory_space<vmem>>
    %dma_start3A_349 = tpu.memref_slice %arg2[%add3A_344] : memref<3276800xi32, #tpu.memory_space<hbm>> -> memref<400xi32, #tpu.memory_space<hbm>>
    %dma_start3A_350 = arith.constant 0 : i32
    %dma_start3A_351 = tpu.memref_slice %arg5[%dma_start3A_345, %dma_start3A_350] : memref<4x400xi32, #tpu.memory_space<vmem>> -> memref<1x400xi32, #tpu.memory_space<vmem>>
    %dma_start3A_352 = tpu.memref_squeeze %dma_start3A_351 : memref<1x400xi32, #tpu.memory_space<vmem>> -> memref<400xi32, #tpu.memory_space<vmem>>
    %dma_start3A_353 = tpu.memref_slice %arg2[%add3A_344] : memref<3276800xi32, #tpu.memory_space<hbm>> -> memref<400xi32, #tpu.memory_space<hbm>>
    tpu.enqueue_dma source(%dma_start3A_353 : memref<400xi32, #tpu.memory_space<hbm>>) target(%dma_start3A_352 : memref<400xi32, #tpu.memory_space<vmem>>) target_semaphore(%arg10 : memref<!tpu.dma_semaphore, #tpu.memory_space<semaphore_mem>>)
    %dma_wait3A_354 = arith.constant 0 : i32
    %dma_wait3A_355 = arith.constant 0 : i32
    %dma_wait3A_356 = arith.constant 0 : i32
    %dma_wait3A_357 = arith.constant 0 : i32
    %dma_wait3A_358 = tpu.memref_slice %arg6[%dma_wait3A_355, %dma_wait3A_356, %dma_wait3A_357] : memref<4x400x64xf32, #tpu.memory_space<vmem>> -> memref<1x400x64xf32, #tpu.memory_space<vmem>>
    %dma_wait3A_359 = tpu.memref_squeeze %dma_wait3A_358 : memref<1x400x64xf32, #tpu.memory_space<vmem>> -> memref<400x64xf32, #tpu.memory_space<vmem>>
    %dma_wait3A_360 = arith.constant 0 : i32
    %dma_wait3A_361 = tpu.memref_slice %arg5[%dma_wait3A_354, %dma_wait3A_360] : memref<4x400xi32, #tpu.memory_space<vmem>> -> memref<1x400xi32, #tpu.memory_space<vmem>>
    %dma_wait3A_362 = tpu.memref_squeeze %dma_wait3A_361 : memref<1x400xi32, #tpu.memory_space<vmem>> -> memref<400xi32, #tpu.memory_space<vmem>>
    %dma_wait3A_363 = arith.constant 0 : i32
    %dma_wait3A_364 = arith.constant 0 : i32
    %dma_wait3A_365 = tpu.memref_slice %arg3[%dma_wait3A_363, %dma_wait3A_364] : memref<1000000x64xf32, #tpu.memory_space<hbm>> -> memref<1000000x64xf32, #tpu.memory_space<hbm>>
    tpu.wait_indirect_dma semaphore(%arg11 : memref<!tpu.dma_semaphore, #tpu.memory_space<semaphore_mem>>) src(%dma_wait3A_365 : memref<1000000x64xf32, #tpu.memory_space<hbm>>) dst(%dma_wait3A_359 : memref<400x64xf32, #tpu.memory_space<vmem>>)
    %add3A_366 = arith.constant 100800 : i32
    %add3A_367 = arith.addi %mul3A_2, %add3A_366 : i32
    %dma_start3A_368 = arith.constant 0 : i32
    %dma_start3A_369 = arith.constant 0 : i32
    %dma_start3A_370 = arith.constant 0 : i32
    %dma_start3A_371 = tpu.memref_slice %arg6[%dma_start3A_368, %dma_start3A_369, %dma_start3A_370] : memref<4x400x64xf32, #tpu.memory_space<vmem>> -> memref<1x400x64xf32, #tpu.memory_space<vmem>>
    %dma_start3A_372 = tpu.memref_squeeze %dma_start3A_371 : memref<1x400x64xf32, #tpu.memory_space<vmem>> -> memref<400x64xf32, #tpu.memory_space<vmem>>
    %dma_start3A_373 = arith.constant 0 : i32
    %dma_start3A_374 = tpu.memref_slice %arg4[%add3A_367, %dma_start3A_373] : memref<3276800x128xf32, #tpu.memory_space<hbm>> -> memref<400x64xf32, #tpu.memory_space<hbm>>
    %dma_start3A_375 = arith.constant 0 : i32
    %dma_start3A_376 = tpu.memref_slice %arg4[%add3A_367, %dma_start3A_375] : memref<3276800x128xf32, #tpu.memory_space<hbm>> -> memref<400x64xf32, #tpu.memory_space<hbm>>
    %dma_start3A_377 = arith.constant 0 : i32
    %dma_start3A_378 = arith.constant 0 : i32
    %dma_start3A_379 = tpu.memref_slice %arg6[%dma_start3A_368, %dma_start3A_377, %dma_start3A_378] : memref<4x400x64xf32, #tpu.memory_space<vmem>> -> memref<1x400x64xf32, #tpu.memory_space<vmem>>
    %dma_start3A_380 = tpu.memref_squeeze %dma_start3A_379 : memref<1x400x64xf32, #tpu.memory_space<vmem>> -> memref<400x64xf32, #tpu.memory_space<vmem>>
    tpu.enqueue_dma source(%dma_start3A_380 : memref<400x64xf32, #tpu.memory_space<vmem>>) target(%dma_start3A_376 : memref<400x64xf32, #tpu.memory_space<hbm>>) target_semaphore(%arg15 : memref<!tpu.dma_semaphore, #tpu.memory_space<semaphore_mem>>)
    %dma_wait3A_381 = arith.constant 2 : i32
    %dma_wait3A_382 = arith.constant 0 : i32
    %dma_wait3A_383 = arith.constant 0 : i32
    %dma_wait3A_384 = tpu.memref_slice %arg6[%dma_wait3A_381, %dma_wait3A_382, %dma_wait3A_383] : memref<4x400x64xf32, #tpu.memory_space<vmem>> -> memref<1x400x64xf32, #tpu.memory_space<vmem>>
    %dma_wait3A_385 = tpu.memref_squeeze %dma_wait3A_384 : memref<1x400x64xf32, #tpu.memory_space<vmem>> -> memref<400x64xf32, #tpu.memory_space<vmem>>
    %dma_wait3A_386 = arith.constant 0 : i32
    %dma_wait3A_387 = tpu.memref_slice %arg4[%mul3A_2, %dma_wait3A_386] : memref<3276800x128xf32, #tpu.memory_space<hbm>> -> memref<400x64xf32, #tpu.memory_space<hbm>>
    %dma_wait3A_388 = arith.constant 0 : i32
    %dma_wait3A_389 = tpu.memref_slice %arg4[%mul3A_2, %dma_wait3A_388] : memref<3276800x128xf32, #tpu.memory_space<hbm>> -> memref<400x64xf32, #tpu.memory_space<hbm>>
    %dma_wait3A_390 = arith.constant 0 : i32
    %dma_wait3A_391 = arith.constant 0 : i32
    %dma_wait3A_392 = tpu.memref_slice %arg6[%dma_wait3A_381, %dma_wait3A_390, %dma_wait3A_391] : memref<4x400x64xf32, #tpu.memory_space<vmem>> -> memref<1x400x64xf32, #tpu.memory_space<vmem>>
    %dma_wait3A_393 = tpu.memref_squeeze %dma_wait3A_392 : memref<1x400x64xf32, #tpu.memory_space<vmem>> -> memref<400x64xf32, #tpu.memory_space<vmem>>
    tpu.wait_dma2 semaphore(%arg17 : memref<!tpu.dma_semaphore, #tpu.memory_space<semaphore_mem>>) src(%dma_wait3A_393 : memref<400x64xf32, #tpu.memory_space<vmem>>) dst(%dma_wait3A_389 : memref<400x64xf32, #tpu.memory_space<hbm>>)
    %dma_wait3A_394 = arith.constant 2 : i32
    %dma_wait3A_395 = arith.constant 0 : i32
    %dma_wait3A_396 = tpu.memref_slice %arg5[%dma_wait3A_394, %dma_wait3A_395] : memref<4x400xi32, #tpu.memory_space<vmem>> -> memref<1x400xi32, #tpu.memory_space<vmem>>
    %dma_wait3A_397 = tpu.memref_squeeze %dma_wait3A_396 : memref<1x400xi32, #tpu.memory_space<vmem>> -> memref<400xi32, #tpu.memory_space<vmem>>
    %dma_wait3A_398 = tpu.memref_slice %arg2[%mul3A_2] : memref<3276800xi32, #tpu.memory_space<hbm>> -> memref<400xi32, #tpu.memory_space<hbm>>
    %dma_wait3A_399 = arith.constant 0 : i32
    %dma_wait3A_400 = tpu.memref_slice %arg5[%dma_wait3A_394, %dma_wait3A_399] : memref<4x400xi32, #tpu.memory_space<vmem>> -> memref<1x400xi32, #tpu.memory_space<vmem>>
    %dma_wait3A_401 = tpu.memref_squeeze %dma_wait3A_400 : memref<1x400xi32, #tpu.memory_space<vmem>> -> memref<400xi32, #tpu.memory_space<vmem>>
    %dma_wait3A_402 = tpu.memref_slice %arg2[%mul3A_2] : memref<3276800xi32, #tpu.memory_space<hbm>> -> memref<400xi32, #tpu.memory_space<hbm>>
    tpu.wait_dma2 semaphore(%arg9 : memref<!tpu.dma_semaphore, #tpu.memory_space<semaphore_mem>>) src(%dma_wait3A_402 : memref<400xi32, #tpu.memory_space<hbm>>) dst(%dma_wait3A_401 : memref<400xi32, #tpu.memory_space<vmem>>)
    %dma_start3A_403 = arith.constant 2 : i32
    %dma_start3A_404 = arith.constant 2 : i32
    %dma_start3A_405 = arith.constant 0 : i32
    %dma_start3A_406 = arith.constant 0 : i32
    %dma_start3A_407 = tpu.memref_slice %arg6[%dma_start3A_404, %dma_start3A_405, %dma_start3A_406] : memref<4x400x64xf32, #tpu.memory_space<vmem>> -> memref<1x400x64xf32, #tpu.memory_space<vmem>>
    %dma_start3A_408 = tpu.memref_squeeze %dma_start3A_407 : memref<1x400x64xf32, #tpu.memory_space<vmem>> -> memref<400x64xf32, #tpu.memory_space<vmem>>
    %dma_start3A_409 = arith.constant 0 : i32
    %dma_start3A_410 = tpu.memref_slice %arg5[%dma_start3A_403, %dma_start3A_409] : memref<4x400xi32, #tpu.memory_space<vmem>> -> memref<1x400xi32, #tpu.memory_space<vmem>>
    %dma_start3A_411 = tpu.memref_squeeze %dma_start3A_410 : memref<1x400xi32, #tpu.memory_space<vmem>> -> memref<400xi32, #tpu.memory_space<vmem>>
    %dma_start3A_412 = arith.constant 0 : i32
    %dma_start3A_413 = arith.constant 0 : i32
    %dma_start3A_414 = tpu.memref_slice %arg3[%dma_start3A_412, %dma_start3A_413] : memref<1000000x64xf32, #tpu.memory_space<hbm>> -> memref<1000000x64xf32, #tpu.memory_space<hbm>>
    tpu.enqueue_indirect_dma source(%dma_start3A_414 : memref<1000000x64xf32, #tpu.memory_space<hbm>>) target(%dma_start3A_408 : memref<400x64xf32, #tpu.memory_space<vmem>>) offsets(%dma_start3A_411 : memref<400xi32, #tpu.memory_space<vmem>>) semaphore(%arg13 : memref<!tpu.dma_semaphore, #tpu.memory_space<semaphore_mem>>)
    %dma_wait3A_415 = arith.constant 1 : i32
    %dma_wait3A_416 = arith.constant 1 : i32
    %dma_wait3A_417 = arith.constant 0 : i32
    %dma_wait3A_418 = arith.constant 0 : i32
    %dma_wait3A_419 = tpu.memref_slice %arg6[%dma_wait3A_416, %dma_wait3A_417, %dma_wait3A_418] : memref<4x400x64xf32, #tpu.memory_space<vmem>> -> memref<1x400x64xf32, #tpu.memory_space<vmem>>
    %dma_wait3A_420 = tpu.memref_squeeze %dma_wait3A_419 : memref<1x400x64xf32, #tpu.memory_space<vmem>> -> memref<400x64xf32, #tpu.memory_space<vmem>>
    %dma_wait3A_421 = arith.constant 0 : i32
    %dma_wait3A_422 = tpu.memref_slice %arg5[%dma_wait3A_415, %dma_wait3A_421] : memref<4x400xi32, #tpu.memory_space<vmem>> -> memref<1x400xi32, #tpu.memory_space<vmem>>
    %dma_wait3A_423 = tpu.memref_squeeze %dma_wait3A_422 : memref<1x400xi32, #tpu.memory_space<vmem>> -> memref<400xi32, #tpu.memory_space<vmem>>
    %dma_wait3A_424 = arith.constant 0 : i32
    %dma_wait3A_425 = arith.constant 0 : i32
    %dma_wait3A_426 = tpu.memref_slice %arg3[%dma_wait3A_424, %dma_wait3A_425] : memref<1000000x64xf32, #tpu.memory_space<hbm>> -> memref<1000000x64xf32, #tpu.memory_space<hbm>>
    tpu.wait_indirect_dma semaphore(%arg12 : memref<!tpu.dma_semaphore, #tpu.memory_space<semaphore_mem>>) src(%dma_wait3A_426 : memref<1000000x64xf32, #tpu.memory_space<hbm>>) dst(%dma_wait3A_420 : memref<400x64xf32, #tpu.memory_space<vmem>>)
    %add3A_427 = arith.constant 101200 : i32
    %add3A_428 = arith.addi %mul3A_2, %add3A_427 : i32
    %dma_start3A_429 = arith.constant 1 : i32
    %dma_start3A_430 = arith.constant 0 : i32
    %dma_start3A_431 = arith.constant 0 : i32
    %dma_start3A_432 = tpu.memref_slice %arg6[%dma_start3A_429, %dma_start3A_430, %dma_start3A_431] : memref<4x400x64xf32, #tpu.memory_space<vmem>> -> memref<1x400x64xf32, #tpu.memory_space<vmem>>
    %dma_start3A_433 = tpu.memref_squeeze %dma_start3A_432 : memref<1x400x64xf32, #tpu.memory_space<vmem>> -> memref<400x64xf32, #tpu.memory_space<vmem>>
    %dma_start3A_434 = arith.constant 0 : i32
    %dma_start3A_435 = tpu.memref_slice %arg4[%add3A_428, %dma_start3A_434] : memref<3276800x128xf32, #tpu.memory_space<hbm>> -> memref<400x64xf32, #tpu.memory_space<hbm>>
    %dma_start3A_436 = arith.constant 0 : i32
    %dma_start3A_437 = tpu.memref_slice %arg4[%add3A_428, %dma_start3A_436] : memref<3276800x128xf32, #tpu.memory_space<hbm>> -> memref<400x64xf32, #tpu.memory_space<hbm>>
    %dma_start3A_438 = arith.constant 0 : i32
    %dma_start3A_439 = arith.constant 0 : i32
    %dma_start3A_440 = tpu.memref_slice %arg6[%dma_start3A_429, %dma_start3A_438, %dma_start3A_439] : memref<4x400x64xf32, #tpu.memory_space<vmem>> -> memref<1x400x64xf32, #tpu.memory_space<vmem>>
    %dma_start3A_441 = tpu.memref_squeeze %dma_start3A_440 : memref<1x400x64xf32, #tpu.memory_space<vmem>> -> memref<400x64xf32, #tpu.memory_space<vmem>>
    tpu.enqueue_dma source(%dma_start3A_441 : memref<400x64xf32, #tpu.memory_space<vmem>>) target(%dma_start3A_437 : memref<400x64xf32, #tpu.memory_space<hbm>>) target_semaphore(%arg16 : memref<!tpu.dma_semaphore, #tpu.memory_space<semaphore_mem>>)
    %dma_wait3A_442 = arith.constant 3 : i32
    %dma_wait3A_443 = arith.constant 0 : i32
    %dma_wait3A_444 = arith.constant 0 : i32
    %dma_wait3A_445 = tpu.memref_slice %arg6[%dma_wait3A_442, %dma_wait3A_443, %dma_wait3A_444] : memref<4x400x64xf32, #tpu.memory_space<vmem>> -> memref<1x400x64xf32, #tpu.memory_space<vmem>>
    %dma_wait3A_446 = tpu.memref_squeeze %dma_wait3A_445 : memref<1x400x64xf32, #tpu.memory_space<vmem>> -> memref<400x64xf32, #tpu.memory_space<vmem>>
    %dma_wait3A_447 = arith.constant 0 : i32
    %dma_wait3A_448 = tpu.memref_slice %arg4[%mul3A_2, %dma_wait3A_447] : memref<3276800x128xf32, #tpu.memory_space<hbm>> -> memref<400x64xf32, #tpu.memory_space<hbm>>
    %dma_wait3A_449 = arith.constant 0 : i32
    %dma_wait3A_450 = tpu.memref_slice %arg4[%mul3A_2, %dma_wait3A_449] : memref<3276800x128xf32, #tpu.memory_space<hbm>> -> memref<400x64xf32, #tpu.memory_space<hbm>>
    %dma_wait3A_451 = arith.constant 0 : i32
    %dma_wait3A_452 = arith.constant 0 : i32
    %dma_wait3A_453 = tpu.memref_slice %arg6[%dma_wait3A_442, %dma_wait3A_451, %dma_wait3A_452] : memref<4x400x64xf32, #tpu.memory_space<vmem>> -> memref<1x400x64xf32, #tpu.memory_space<vmem>>
    %dma_wait3A_454 = tpu.memref_squeeze %dma_wait3A_453 : memref<1x400x64xf32, #tpu.memory_space<vmem>> -> memref<400x64xf32, #tpu.memory_space<vmem>>
    tpu.wait_dma2 semaphore(%arg18 : memref<!tpu.dma_semaphore, #tpu.memory_space<semaphore_mem>>) src(%dma_wait3A_454 : memref<400x64xf32, #tpu.memory_space<vmem>>) dst(%dma_wait3A_450 : memref<400x64xf32, #tpu.memory_space<hbm>>)
    %dma_wait3A_455 = arith.constant 3 : i32
    %dma_wait3A_456 = arith.constant 0 : i32
    %dma_wait3A_457 = tpu.memref_slice %arg5[%dma_wait3A_455, %dma_wait3A_456] : memref<4x400xi32, #tpu.memory_space<vmem>> -> memref<1x400xi32, #tpu.memory_space<vmem>>
    %dma_wait3A_458 = tpu.memref_squeeze %dma_wait3A_457 : memref<1x400xi32, #tpu.memory_space<vmem>> -> memref<400xi32, #tpu.memory_space<vmem>>
    %dma_wait3A_459 = tpu.memref_slice %arg2[%mul3A_2] : memref<3276800xi32, #tpu.memory_space<hbm>> -> memref<400xi32, #tpu.memory_space<hbm>>
    %dma_wait3A_460 = arith.constant 0 : i32
    %dma_wait3A_461 = tpu.memref_slice %arg5[%dma_wait3A_455, %dma_wait3A_460] : memref<4x400xi32, #tpu.memory_space<vmem>> -> memref<1x400xi32, #tpu.memory_space<vmem>>
    %dma_wait3A_462 = tpu.memref_squeeze %dma_wait3A_461 : memref<1x400xi32, #tpu.memory_space<vmem>> -> memref<400xi32, #tpu.memory_space<vmem>>
    %dma_wait3A_463 = tpu.memref_slice %arg2[%mul3A_2] : memref<3276800xi32, #tpu.memory_space<hbm>> -> memref<400xi32, #tpu.memory_space<hbm>>
    tpu.wait_dma2 semaphore(%arg10 : memref<!tpu.dma_semaphore, #tpu.memory_space<semaphore_mem>>) src(%dma_wait3A_463 : memref<400xi32, #tpu.memory_space<hbm>>) dst(%dma_wait3A_462 : memref<400xi32, #tpu.memory_space<vmem>>)
    %dma_start3A_464 = arith.constant 3 : i32
    %dma_start3A_465 = arith.constant 3 : i32
    %dma_start3A_466 = arith.constant 0 : i32
    %dma_start3A_467 = arith.constant 0 : i32
    %dma_start3A_468 = tpu.memref_slice %arg6[%dma_start3A_465, %dma_start3A_466, %dma_start3A_467] : memref<4x400x64xf32, #tpu.memory_space<vmem>> -> memref<1x400x64xf32, #tpu.memory_space<vmem>>
    %dma_start3A_469 = tpu.memref_squeeze %dma_start3A_468 : memref<1x400x64xf32, #tpu.memory_space<vmem>> -> memref<400x64xf32, #tpu.memory_space<vmem>>
    %dma_start3A_470 = arith.constant 0 : i32
    %dma_start3A_471 = tpu.memref_slice %arg5[%dma_start3A_464, %dma_start3A_470] : memref<4x400xi32, #tpu.memory_space<vmem>> -> memref<1x400xi32, #tpu.memory_space<vmem>>
    %dma_start3A_472 = tpu.memref_squeeze %dma_start3A_471 : memref<1x400xi32, #tpu.memory_space<vmem>> -> memref<400xi32, #tpu.memory_space<vmem>>
    %dma_start3A_473 = arith.constant 0 : i32
    %dma_start3A_474 = arith.constant 0 : i32
    %dma_start3A_475 = tpu.memref_slice %arg3[%dma_start3A_473, %dma_start3A_474] : memref<1000000x64xf32, #tpu.memory_space<hbm>> -> memref<1000000x64xf32, #tpu.memory_space<hbm>>
    tpu.enqueue_indirect_dma source(%dma_start3A_475 : memref<1000000x64xf32, #tpu.memory_space<hbm>>) target(%dma_start3A_469 : memref<400x64xf32, #tpu.memory_space<vmem>>) offsets(%dma_start3A_472 : memref<400xi32, #tpu.memory_space<vmem>>) semaphore(%arg14 : memref<!tpu.dma_semaphore, #tpu.memory_space<semaphore_mem>>)
    %dma_wait3A_476 = arith.constant 2 : i32
    %dma_wait3A_477 = arith.constant 2 : i32
    %dma_wait3A_478 = arith.constant 0 : i32
    %dma_wait3A_479 = arith.constant 0 : i32
    %dma_wait3A_480 = tpu.memref_slice %arg6[%dma_wait3A_477, %dma_wait3A_478, %dma_wait3A_479] : memref<4x400x64xf32, #tpu.memory_space<vmem>> -> memref<1x400x64xf32, #tpu.memory_space<vmem>>
    %dma_wait3A_481 = tpu.memref_squeeze %dma_wait3A_480 : memref<1x400x64xf32, #tpu.memory_space<vmem>> -> memref<400x64xf32, #tpu.memory_space<vmem>>
    %dma_wait3A_482 = arith.constant 0 : i32
    %dma_wait3A_483 = tpu.memref_slice %arg5[%dma_wait3A_476, %dma_wait3A_482] : memref<4x400xi32, #tpu.memory_space<vmem>> -> memref<1x400xi32, #tpu.memory_space<vmem>>
    %dma_wait3A_484 = tpu.memref_squeeze %dma_wait3A_483 : memref<1x400xi32, #tpu.memory_space<vmem>> -> memref<400xi32, #tpu.memory_space<vmem>>
    %dma_wait3A_485 = arith.constant 0 : i32
    %dma_wait3A_486 = arith.constant 0 : i32
    %dma_wait3A_487 = tpu.memref_slice %arg3[%dma_wait3A_485, %dma_wait3A_486] : memref<1000000x64xf32, #tpu.memory_space<hbm>> -> memref<1000000x64xf32, #tpu.memory_space<hbm>>
    tpu.wait_indirect_dma semaphore(%arg13 : memref<!tpu.dma_semaphore, #tpu.memory_space<semaphore_mem>>) src(%dma_wait3A_487 : memref<1000000x64xf32, #tpu.memory_space<hbm>>) dst(%dma_wait3A_481 : memref<400x64xf32, #tpu.memory_space<vmem>>)
    %add3A_488 = arith.constant 101600 : i32
    %add3A_489 = arith.addi %mul3A_2, %add3A_488 : i32
    %dma_start3A_490 = arith.constant 2 : i32
    %dma_start3A_491 = arith.constant 0 : i32
    %dma_start3A_492 = arith.constant 0 : i32
    %dma_start3A_493 = tpu.memref_slice %arg6[%dma_start3A_490, %dma_start3A_491, %dma_start3A_492] : memref<4x400x64xf32, #tpu.memory_space<vmem>> -> memref<1x400x64xf32, #tpu.memory_space<vmem>>
    %dma_start3A_494 = tpu.memref_squeeze %dma_start3A_493 : memref<1x400x64xf32, #tpu.memory_space<vmem>> -> memref<400x64xf32, #tpu.memory_space<vmem>>
    %dma_start3A_495 = arith.constant 0 : i32
    %dma_start3A_496 = tpu.memref_slice %arg4[%add3A_489, %dma_start3A_495] : memref<3276800x128xf32, #tpu.memory_space<hbm>> -> memref<400x64xf32, #tpu.memory_space<hbm>>
    %dma_start3A_497 = arith.constant 0 : i32
    %dma_start3A_498 = tpu.memref_slice %arg4[%add3A_489, %dma_start3A_497] : memref<3276800x128xf32, #tpu.memory_space<hbm>> -> memref<400x64xf32, #tpu.memory_space<hbm>>
    %dma_start3A_499 = arith.constant 0 : i32
    %dma_start3A_500 = arith.constant 0 : i32
    %dma_start3A_501 = tpu.memref_slice %arg6[%dma_start3A_490, %dma_start3A_499, %dma_start3A_500] : memref<4x400x64xf32, #tpu.memory_space<vmem>> -> memref<1x400x64xf32, #tpu.memory_space<vmem>>
    %dma_start3A_502 = tpu.memref_squeeze %dma_start3A_501 : memref<1x400x64xf32, #tpu.memory_space<vmem>> -> memref<400x64xf32, #tpu.memory_space<vmem>>
    tpu.enqueue_dma source(%dma_start3A_502 : memref<400x64xf32, #tpu.memory_space<vmem>>) target(%dma_start3A_498 : memref<400x64xf32, #tpu.memory_space<hbm>>) target_semaphore(%arg17 : memref<!tpu.dma_semaphore, #tpu.memory_space<semaphore_mem>>)
    %dma_wait3A_503 = arith.constant 3 : i32
    %dma_wait3A_504 = arith.constant 3 : i32
    %dma_wait3A_505 = arith.constant 0 : i32
    %dma_wait3A_506 = arith.constant 0 : i32
    %dma_wait3A_507 = tpu.memref_slice %arg6[%dma_wait3A_504, %dma_wait3A_505, %dma_wait3A_506] : memref<4x400x64xf32, #tpu.memory_space<vmem>> -> memref<1x400x64xf32, #tpu.memory_space<vmem>>
    %dma_wait3A_508 = tpu.memref_squeeze %dma_wait3A_507 : memref<1x400x64xf32, #tpu.memory_space<vmem>> -> memref<400x64xf32, #tpu.memory_space<vmem>>
    %dma_wait3A_509 = arith.constant 0 : i32
    %dma_wait3A_510 = tpu.memref_slice %arg5[%dma_wait3A_503, %dma_wait3A_509] : memref<4x400xi32, #tpu.memory_space<vmem>> -> memref<1x400xi32, #tpu.memory_space<vmem>>
    %dma_wait3A_511 = tpu.memref_squeeze %dma_wait3A_510 : memref<1x400xi32, #tpu.memory_space<vmem>> -> memref<400xi32, #tpu.memory_space<vmem>>
    %dma_wait3A_512 = arith.constant 0 : i32
    %dma_wait3A_513 = arith.constant 0 : i32
    %dma_wait3A_514 = tpu.memref_slice %arg3[%dma_wait3A_512, %dma_wait3A_513] : memref<1000000x64xf32, #tpu.memory_space<hbm>> -> memref<1000000x64xf32, #tpu.memory_space<hbm>>
    tpu.wait_indirect_dma semaphore(%arg14 : memref<!tpu.dma_semaphore, #tpu.memory_space<semaphore_mem>>) src(%dma_wait3A_514 : memref<1000000x64xf32, #tpu.memory_space<hbm>>) dst(%dma_wait3A_508 : memref<400x64xf32, #tpu.memory_space<vmem>>)
    %add3A_515 = arith.constant 102000 : i32
    %add3A_516 = arith.addi %mul3A_2, %add3A_515 : i32
    %dma_start3A_517 = arith.constant 3 : i32
    %dma_start3A_518 = arith.constant 0 : i32
    %dma_start3A_519 = arith.constant 0 : i32
    %dma_start3A_520 = tpu.memref_slice %arg6[%dma_start3A_517, %dma_start3A_518, %dma_start3A_519] : memref<4x400x64xf32, #tpu.memory_space<vmem>> -> memref<1x400x64xf32, #tpu.memory_space<vmem>>
    %dma_start3A_521 = tpu.memref_squeeze %dma_start3A_520 : memref<1x400x64xf32, #tpu.memory_space<vmem>> -> memref<400x64xf32, #tpu.memory_space<vmem>>
    %dma_start3A_522 = arith.constant 0 : i32
    %dma_start3A_523 = tpu.memref_slice %arg4[%add3A_516, %dma_start3A_522] : memref<3276800x128xf32, #tpu.memory_space<hbm>> -> memref<400x64xf32, #tpu.memory_space<hbm>>
    %dma_start3A_524 = arith.constant 0 : i32
    %dma_start3A_525 = tpu.memref_slice %arg4[%add3A_516, %dma_start3A_524] : memref<3276800x128xf32, #tpu.memory_space<hbm>> -> memref<400x64xf32, #tpu.memory_space<hbm>>
    %dma_start3A_526 = arith.constant 0 : i32
    %dma_start3A_527 = arith.constant 0 : i32
    %dma_start3A_528 = tpu.memref_slice %arg6[%dma_start3A_517, %dma_start3A_526, %dma_start3A_527] : memref<4x400x64xf32, #tpu.memory_space<vmem>> -> memref<1x400x64xf32, #tpu.memory_space<vmem>>
    %dma_start3A_529 = tpu.memref_squeeze %dma_start3A_528 : memref<1x400x64xf32, #tpu.memory_space<vmem>> -> memref<400x64xf32, #tpu.memory_space<vmem>>
    tpu.enqueue_dma source(%dma_start3A_529 : memref<400x64xf32, #tpu.memory_space<vmem>>) target(%dma_start3A_525 : memref<400x64xf32, #tpu.memory_space<hbm>>) target_semaphore(%arg18 : memref<!tpu.dma_semaphore, #tpu.memory_space<semaphore_mem>>)
    %dma_wait3A_530 = arith.constant 0 : i32
    %dma_wait3A_531 = arith.constant 0 : i32
    %dma_wait3A_532 = arith.constant 0 : i32
    %dma_wait3A_533 = tpu.memref_slice %arg6[%dma_wait3A_530, %dma_wait3A_531, %dma_wait3A_532] : memref<4x400x64xf32, #tpu.memory_space<vmem>> -> memref<1x400x64xf32, #tpu.memory_space<vmem>>
    %dma_wait3A_534 = tpu.memref_squeeze %dma_wait3A_533 : memref<1x400x64xf32, #tpu.memory_space<vmem>> -> memref<400x64xf32, #tpu.memory_space<vmem>>
    %dma_wait3A_535 = arith.constant 0 : i32
    %dma_wait3A_536 = tpu.memref_slice %arg4[%mul3A_2, %dma_wait3A_535] : memref<3276800x128xf32, #tpu.memory_space<hbm>> -> memref<400x64xf32, #tpu.memory_space<hbm>>
    %dma_wait3A_537 = arith.constant 0 : i32
    %dma_wait3A_538 = tpu.memref_slice %arg4[%mul3A_2, %dma_wait3A_537] : memref<3276800x128xf32, #tpu.memory_space<hbm>> -> memref<400x64xf32, #tpu.memory_space<hbm>>
    %dma_wait3A_539 = arith.constant 0 : i32
    %dma_wait3A_540 = arith.constant 0 : i32
    %dma_wait3A_541 = tpu.memref_slice %arg6[%dma_wait3A_530, %dma_wait3A_539, %dma_wait3A_540] : memref<4x400x64xf32, #tpu.memory_space<vmem>> -> memref<1x400x64xf32, #tpu.memory_space<vmem>>
    %dma_wait3A_542 = tpu.memref_squeeze %dma_wait3A_541 : memref<1x400x64xf32, #tpu.memory_space<vmem>> -> memref<400x64xf32, #tpu.memory_space<vmem>>
    tpu.wait_dma2 semaphore(%arg15 : memref<!tpu.dma_semaphore, #tpu.memory_space<semaphore_mem>>) src(%dma_wait3A_542 : memref<400x64xf32, #tpu.memory_space<vmem>>) dst(%dma_wait3A_538 : memref<400x64xf32, #tpu.memory_space<hbm>>)
    %dma_wait3A_543 = arith.constant 1 : i32
    %dma_wait3A_544 = arith.constant 0 : i32
    %dma_wait3A_545 = arith.constant 0 : i32
    %dma_wait3A_546 = tpu.memref_slice %arg6[%dma_wait3A_543, %dma_wait3A_544, %dma_wait3A_545] : memref<4x400x64xf32, #tpu.memory_space<vmem>> -> memref<1x400x64xf32, #tpu.memory_space<vmem>>
    %dma_wait3A_547 = tpu.memref_squeeze %dma_wait3A_546 : memref<1x400x64xf32, #tpu.memory_space<vmem>> -> memref<400x64xf32, #tpu.memory_space<vmem>>
    %dma_wait3A_548 = arith.constant 0 : i32
    %dma_wait3A_549 = tpu.memref_slice %arg4[%mul3A_2, %dma_wait3A_548] : memref<3276800x128xf32, #tpu.memory_space<hbm>> -> memref<400x64xf32, #tpu.memory_space<hbm>>
    %dma_wait3A_550 = arith.constant 0 : i32
    %dma_wait3A_551 = tpu.memref_slice %arg4[%mul3A_2, %dma_wait3A_550] : memref<3276800x128xf32, #tpu.memory_space<hbm>> -> memref<400x64xf32, #tpu.memory_space<hbm>>
    %dma_wait3A_552 = arith.constant 0 : i32
    %dma_wait3A_553 = arith.constant 0 : i32
    %dma_wait3A_554 = tpu.memref_slice %arg6[%dma_wait3A_543, %dma_wait3A_552, %dma_wait3A_553] : memref<4x400x64xf32, #tpu.memory_space<vmem>> -> memref<1x400x64xf32, #tpu.memory_space<vmem>>
    %dma_wait3A_555 = tpu.memref_squeeze %dma_wait3A_554 : memref<1x400x64xf32, #tpu.memory_space<vmem>> -> memref<400x64xf32, #tpu.memory_space<vmem>>
    tpu.wait_dma2 semaphore(%arg16 : memref<!tpu.dma_semaphore, #tpu.memory_space<semaphore_mem>>) src(%dma_wait3A_555 : memref<400x64xf32, #tpu.memory_space<vmem>>) dst(%dma_wait3A_551 : memref<400x64xf32, #tpu.memory_space<hbm>>)
    %dma_wait3A_556 = arith.constant 2 : i32
    %dma_wait3A_557 = arith.constant 0 : i32
    %dma_wait3A_558 = arith.constant 0 : i32
    %dma_wait3A_559 = tpu.memref_slice %arg6[%dma_wait3A_556, %dma_wait3A_557, %dma_wait3A_558] : memref<4x400x64xf32, #tpu.memory_space<vmem>> -> memref<1x400x64xf32, #tpu.memory_space<vmem>>
    %dma_wait3A_560 = tpu.memref_squeeze %dma_wait3A_559 : memref<1x400x64xf32, #tpu.memory_space<vmem>> -> memref<400x64xf32, #tpu.memory_space<vmem>>
    %dma_wait3A_561 = arith.constant 0 : i32
    %dma_wait3A_562 = tpu.memref_slice %arg4[%mul3A_2, %dma_wait3A_561] : memref<3276800x128xf32, #tpu.memory_space<hbm>> -> memref<400x64xf32, #tpu.memory_space<hbm>>
    %dma_wait3A_563 = arith.constant 0 : i32
    %dma_wait3A_564 = tpu.memref_slice %arg4[%mul3A_2, %dma_wait3A_563] : memref<3276800x128xf32, #tpu.memory_space<hbm>> -> memref<400x64xf32, #tpu.memory_space<hbm>>
    %dma_wait3A_565 = arith.constant 0 : i32
    %dma_wait3A_566 = arith.constant 0 : i32
    %dma_wait3A_567 = tpu.memref_slice %arg6[%dma_wait3A_556, %dma_wait3A_565, %dma_wait3A_566] : memref<4x400x64xf32, #tpu.memory_space<vmem>> -> memref<1x400x64xf32, #tpu.memory_space<vmem>>
    %dma_wait3A_568 = tpu.memref_squeeze %dma_wait3A_567 : memref<1x400x64xf32, #tpu.memory_space<vmem>> -> memref<400x64xf32, #tpu.memory_space<vmem>>
    tpu.wait_dma2 semaphore(%arg17 : memref<!tpu.dma_semaphore, #tpu.memory_space<semaphore_mem>>) src(%dma_wait3A_568 : memref<400x64xf32, #tpu.memory_space<vmem>>) dst(%dma_wait3A_564 : memref<400x64xf32, #tpu.memory_space<hbm>>)
    %dma_wait3A_569 = arith.constant 3 : i32
    %dma_wait3A_570 = arith.constant 0 : i32
    %dma_wait3A_571 = arith.constant 0 : i32
    %dma_wait3A_572 = tpu.memref_slice %arg6[%dma_wait3A_569, %dma_wait3A_570, %dma_wait3A_571] : memref<4x400x64xf32, #tpu.memory_space<vmem>> -> memref<1x400x64xf32, #tpu.memory_space<vmem>>
    %dma_wait3A_573 = tpu.memref_squeeze %dma_wait3A_572 : memref<1x400x64xf32, #tpu.memory_space<vmem>> -> memref<400x64xf32, #tpu.memory_space<vmem>>
    %dma_wait3A_574 = arith.constant 0 : i32
    %dma_wait3A_575 = tpu.memref_slice %arg4[%mul3A_2, %dma_wait3A_574] : memref<3276800x128xf32, #tpu.memory_space<hbm>> -> memref<400x64xf32, #tpu.memory_space<hbm>>
    %dma_wait3A_576 = arith.constant 0 : i32
    %dma_wait3A_577 = tpu.memref_slice %arg4[%mul3A_2, %dma_wait3A_576] : memref<3276800x128xf32, #tpu.memory_space<hbm>> -> memref<400x64xf32, #tpu.memory_space<hbm>>
    %dma_wait3A_578 = arith.constant 0 : i32
    %dma_wait3A_579 = arith.constant 0 : i32
    %dma_wait3A_580 = tpu.memref_slice %arg6[%dma_wait3A_569, %dma_wait3A_578, %dma_wait3A_579] : memref<4x400x64xf32, #tpu.memory_space<vmem>> -> memref<1x400x64xf32, #tpu.memory_space<vmem>>
    %dma_wait3A_581 = tpu.memref_squeeze %dma_wait3A_580 : memref<1x400x64xf32, #tpu.memory_space<vmem>> -> memref<400x64xf32, #tpu.memory_space<vmem>>
    tpu.wait_dma2 semaphore(%arg18 : memref<!tpu.dma_semaphore, #tpu.memory_space<semaphore_mem>>) src(%dma_wait3A_581 : memref<400x64xf32, #tpu.memory_space<vmem>>) dst(%dma_wait3A_577 : memref<400x64xf32, #tpu.memory_space<hbm>>)
    return
  }
}

</mosaic_0001>

<sc_bundles>
// kernel: kernel.3.cloned.1.call-start
scs
__scs_entry_jumppad:
0x0: {  	(pc) =	sbr.rel $0x88, $3  }
0x1: {  	(tag) =	ssettag $0x0;
	lr =	simm.s32 $0x1  }
0x2: {  	[smem:$0x3F9F] =	sst lr;
	_ =	strace $0xD0000000  }
0x3: {  	_ = 	snop  }
0x4: {  	_ = 	snop  }
0x5: {  	_ = 	snop  }
0x6: {  	_ = 	snop  }
0x7: {  	_ = 	snop  }
__scs_overlays_trampoline_lowered:
0x8: {  	[smem:$0x3FAE] =	sst s0  }
0x9: {  	[smem:$0x3FAF] =	sst s1  }
0xa: {  	[smem:$0x3FB0] =	sst s2  }
0xb: {  	[smem:$0x3FB1] =	sst s3  }
0xc: {  	[smem:$0x3FB2] =	sst s4  }
0xd: {  	[smem:$0x3FB3] =	sst s5  }
0xe: {  	[smem:$0x3FB4] =	sst s6  }
0xf: {  	[smem:$0x3FB5] =	sst s7  }
0x10: {  	[smem:$0x3FB6] =	sst s8  }
0x11: {  	[smem:$0x3FB7] =	sst s9;
	s0 =	simm.s32 @!p0 $0x0  }
0x12: {  	s1 =	sld [smem:$0x3F9D];
	s0 =	simm.s32 @p0 $0x1  }
0x13: {  	[smem:$0x3FB8] =	sst s0;
	s0 =	simm.s32 @!p1 $0x0  }
0x14: {  	s2 =	sld [smem:$0x3F9C];
	s0 =	simm.s32 @p1 $0x1  }
0x15: {  	[smem:$0x3FB9] =	sst s0;
	s0 =	simm.s32 @!p2 $0x0  }
0x16: {  	s3 =	sld [smem:$0x3FDB];
	s0 =	simm.s32 @p2 $0x1  }
0x17: {  	s4 =	simm.s32 $0x1BF5;
	[smem:$0x3FBB] =	sst s0  }
0x18: {  	s0 =	sld [smem:$0x3F9E];
	_ =	swait.ge [sflag:s4], $0x0  }
0x19: {  	s7 =	sld [smem:$0x3F9F]  }
0x1a: {  	s8 =	sadd.s32 $0xFFFFE003, lr  }
0x1b: {  	s9 =	sadd.s32 $0xFFFFFEF7, lr;
	s5 =	simm.s32 $0xFFFFFFFF;
	p2 =	slt.u32 s8, $0xFFFFF086  }
0x1c: {  	p1 =	slt.u32 s9, $0xF7A;
	s5 =	simm.s32 @!p2 $0x0  }
0x1d: {  	s5 =	simm.s32 @p1 $0x1;
	p0 =	seq.s32 s7, s2  }
0x1e: {  	s7 =	smul.u32 @!p0 $0xF7A, s2;
	p2 =	seq.s32 @!p0 s5, $0x0  }
0x1f: {  	s9 =	smul.u32 $0xF7A, s1;
	s8 =	simm.s32 @!p0 $0x1BF5;
	p2 =	por !p2, p0  }
0x20: {  	[sflag:s8] =	ssyncset.s32 @!p0 $0xFFFFF086;
	s6 =	sadd.s32 @!p0 s3, s7;
	s7 =	simm.s32 @!p0 $0x108  }
0x21: {  	s3 =	sadd.s32 s3, s9;
	s6 =	sadd.s32 @!p0 $0x88, s6;
	s7 =	simm.s32 @p2 $0x1082  }
0x22: {  	[simem:s7], [sflag:s8] =	dma.local @!p0 [hbm:s6], $0xF7A  }
0x23: {  	s9 =	sor.u32 $0xD0000000, s2;
	s6 =	simm.s32 $0x108;
	_ =	swait.ge @!p0 [sflag:s8], $0x0  }
0x24: {  	s3 =	sadd.s32 $0x88, s3;
	s6 =	simm.s32 @!p1 $0x1082;
	[sflag:s4] =	ssyncset.s32 $0xFFFFF086  }
0x25: {  	[simem:s6], [sflag:s4] =	dma.local [hbm:s3], $0xF7A  }
0x26: {  	[smem:$0x3F9F] =	sst s1;
	(tag) =	ssettag s2;
	_ =	strace s9  }
0x27: {  	s1 =	sld [smem:$0x3FAF]  }
0x28: {  	s2 =	sld [smem:$0x3FB0]  }
0x29: {  	s4 =	sld [smem:$0x3FB2]  }
0x2a: {  	p0 =	seq.s32 s5, $0x0;
	s5 =	sld [smem:$0x3FB3]  }
0x2b: {  	s6 =	sld [smem:$0x3FB4]  }
0x2c: {  	s7 =	sld [smem:$0x3FB5]  }
0x2d: {  	s3 =	simm.s32 $0x108;
	s8 =	sld [smem:$0x3FB6]  }
0x2e: {  	s3 =	simm.s32 @!p0 $0x1082;
	s9 =	sld [smem:$0x3FB7]  }
0x2f: {  	lr =	sadd.s32 s0, s3;
	s0 =	sld [smem:$0x3FAE]  }
0x30: {  	s3 =	sld [smem:$0x3FB1]  }
0x31: {  	[smem:$0x3FBA] =	sst s10  }
0x32: {  	s10 =	sld [smem:$0x3FB8];
	_ =	sdelay $0x3  }
0x33: {  	p0 =	seq.s32 s10, $0x1;
	s10 =	sld [smem:$0x3FBA];
	_ =	sdelay $0x3  }
0x34: {  	[smem:$0x3FBA] =	sst s10  }
0x35: {  	s10 =	sld [smem:$0x3FB9];
	_ =	sdelay $0x3  }
0x36: {  	p1 =	seq.s32 s10, $0x1;
	s10 =	sld [smem:$0x3FBA];
	_ =	sdelay $0x3  }
0x37: {  	[smem:$0x3FBA] =	sst s10  }
0x38: {  	s10 =	sld [smem:$0x3FBB]  }
0x39: {  	_ = 	snop;
	(pc) =	sbr.ind lr, $3  }
0x3a: {  	_ = 	snop  }
0x3b: {  	_ = 	snop  }
0x3c: {  	p2 =	seq.s32 s10, $0x1;
	s10 =	sld [smem:$0x3FBA]  }
0x3d: {  	_ =	shalt  }
0x3e: {  	_ =	shalt  }
0x3f: {  	_ =	shalt  }
0x40: {  	_ =	shalt  }
0x41: {  	_ =	shalt  }
0x42: {  	_ =	shalt  }
0x43: {  	_ =	shalt  }
0x44: {  	_ =	shalt  }
0x45: {  	_ =	shalt  }
0x46: {  	_ =	shalt  }
0x47: {  	_ =	shalt  }
0x48: {  	_ =	shalt  }
0x49: {  	_ =	shalt  }
0x4a: {  	_ =	shalt  }
0x4b: {  	_ =	shalt  }
0x4c: {  	_ =	shalt  }
0x4d: {  	_ =	shalt  }
0x4e: {  	_ =	shalt  }
0x4f: {  	_ =	shalt  }
0x50: {  	_ =	shalt  }
0x51: {  	_ =	shalt  }
0x52: {  	_ =	shalt  }
0x53: {  	_ =	shalt  }
0x54: {  	_ =	shalt  }
0x55: {  	_ =	shalt  }
0x56: {  	_ =	shalt  }
0x57: {  	_ =	shalt  }
0x58: {  	_ =	shalt  }
0x59: {  	_ =	shalt  }
0x5a: {  	_ =	shalt  }
0x5b: {  	_ =	shalt  }
0x5c: {  	_ =	shalt  }
0x5d: {  	_ =	shalt  }
0x5e: {  	_ =	shalt  }
0x5f: {  	_ =	shalt  }
0x60: {  	_ =	shalt  }
0x61: {  	_ =	shalt  }
0x62: {  	_ =	shalt  }
0x63: {  	_ =	shalt  }
0x64: {  	_ =	shalt  }
0x65: {  	_ =	shalt  }
0x66: {  	_ =	shalt  }
0x67: {  	_ =	shalt  }
0x68: {  	_ =	shalt  }
0x69: {  	_ =	shalt  }
0x6a: {  	_ =	shalt  }
0x6b: {  	_ =	shalt  }
0x6c: {  	_ =	shalt  }
0x6d: {  	_ =	shalt  }
0x6e: {  	_ =	shalt  }
0x6f: {  	_ =	shalt  }
0x70: {  	_ =	shalt  }
0x71: {  	_ =	shalt  }
0x72: {  	_ =	shalt  }
0x73: {  	_ =	shalt  }
0x74: {  	_ =	shalt  }
0x75: {  	_ =	shalt  }
0x76: {  	_ =	shalt  }
0x77: {  	_ =	shalt  }
0x78: {  	_ =	shalt  }
0x79: {  	_ =	shalt  }
0x7a: {  	_ =	shalt  }
0x7b: {  	_ =	shalt  }
0x7c: {  	_ =	shalt  }
0x7d: {  	_ =	shalt  }
0x7e: {  	_ =	shalt  }
0x7f: {  	_ =	shalt  }
0x80: {  	_ =	shalt  }
0x81: {  	_ =	shalt  }
0x82: {  	_ =	shalt  }
0x83: {  	_ =	shalt  }
0x84: {  	_ =	shalt  }
0x85: {  	_ =	shalt  }
0x86: {  	_ =	shalt  }
0x87: {  	_ =	shalt  }
.Lfunc_end0:
.L_simem_size_0:
called_computation.1_lowered:
.L_overlay_start_0:
0x88: {  	s2 =	sld [smem:$0x3FD9]  }
0x89: {  	s3 =	sld [smem:$0x3FFE];
	_ =	sdelay $0x1  }
0x8a: {  	s1 =	srdreg.scid  }
0x8b: {  	s0 =	sand.u32 $0x1, s1  }
0x8c: {  	s16 =	sshll.u32 s0, $0xA;
	s2 =	sadd.s32 s3, s2  }
0x8d: {  	s2 =	sadd.s32 s2, s16  }
0x8e: {  	[smem:$0x3FC6] =	sst s2  }
0x8f: {  	_ = 	snop  }
0x90: {  	(tm) =	ssettm $0x1  }
0x91: {  	s17 =	sld [smem:$0x3FFB];
	_ =	sdelay $0x3  }
0x92: {  	_ =	strace s17  }
0x93: {  	s2 =	sld [smem:$0x3FFC];
	_ =	sdelay $0x3  }
0x94: {  	_ =	strace s2  }
0x95: {  	s2 =	sld [smem:$0x3FFD];
	_ =	sdelay $0x3  }
0x96: {  	_ =	strace s2  }
0x97: {  	_ =	strace $0x8FFFFFFF  }
0x98: {  	s18 =	sld [smem:$0x3FDB];
	_ =	sdelay $0x1  }
0x99: {  	s19 =	simm.s32 $_scs_section_size  }
0x9a: {  	s4 =	simm.s32 $_size__tile_overlayer_lowered;
	s5 =	simm.s32 $_tile_overlayer_lowered  }
0x9b: {  	s22 =	simm.s32 $0x1BFF;
	s21 =	sshll.u32 s5, $0x1;
	s2 =	sadd.s32 s19, s18  }
0x9c: {  	s6 =	simm.s32 $0x0;
	s20 =	sshll.u32 s4, $0x1;
	s4 =	sadd.s32 s21, s2  }
0x9d: {  	[timem:s6], [sflag:s22] =	dma.local [hbm:s4], s20  }
0x9e: {  	_ =	swait.ge [sflag:s22], s20  }
0x9f: {  	s3 =	ssub.s32 $0x0, s20;
	[sflag:s22] =	ssyncset.done $0x0  }
0xa0: {  	[sflag:s22] =	ssyncadd.s32 s3;
	_ =	sdelay $0x1  }
0xa1: {  	s23 =	simm.s32 $0x1B8B  }
0xa2: {  	_ =	swait.ge [sflag:s23], $0x1  }
0xa3: {  	[sflag:s23] =	ssyncset.done $0x0  }
0xa4: {  	s25 =	simm.s32 $0x1B8E;
	s24 =	sld [smem:$0x3FFE];
	[sflag:s23] =	ssyncadd.s32 $0xFFFFFFFF  }
0xa5: {  	s26 =	simm.s32 $execute0_lowered;
	[smem:$0x3FD2] =	sst s25  }
0xa6: {  	s4 =	sshll.u32 s26, $0x1;
	_ =	strace $0x80000046;
	[dreg:$0x1] =	wrdreg $0xFFFFFFFF  }
0xa7: {  	s28 =	simm.s32 $_size_execute0_lowered;
	s2 =	sadd.s32 s2, s4;
	[dreg:$0x0] =	wrdreg $0x0  }
0xa8: {  	s4 =	sshll.u32 s28, $0x1;
	[dreg:$0x2] =	wrdreg s2  }
0xa9: {  	[dreg:$0x3] =	wrdreg s4  }
0xaa: {  	[dreg:$0x4] =	wrdreg $0xC0  }
0xab: {  	_ =	task [dreg:s6], $0x5FFFF  }
0xac: {  	[dreg:$0x1] =	wrdreg $0xFFFFFFFF  }
0xad: {  	[dreg:$0x0] =	wrdreg $0x60  }
0xae: {  	[dreg:$0x2] =	wrdreg s24  }
0xaf: {  	[dreg:$0x3] =	wrdreg $0x9  }
0xb0: {  	_ =	task.clear_ibuf [dreg:s6], $0x4FFFF;
	_ =	strace $0x90000046  }
0xb1: {  	s29 =	simm.s32 $0x9;
	_ =	strace $0x80000048  }
0xb2: {  	_ =	swait.ge [sflag:s29], $0x1  }
0xb3: {  	[sflag:s29] =	ssyncadd.s32 $0xFFFFFFFF  }
0xb4: {  	_ =	strace $0x90000048  }
0xb5: {  	_ =	sfence  }
0xb6: {  	s30 =	sld [smem:$0x0];
	_ =	sdelay $0x2  }
0xb7: {  	s31 =	sshll.u32 s1, $0xD;
	s1 =	sshrl.u32 s1, $0x2  }
0xb8: {  	s3 =	sand.u32 $0x4000, s31;
	s1 =	sadd.s32 s1, s30  }
0xb9: {  	s0 =	sor.u32 s3, s0;
	s1 =	sshll.u32 s1, $0x11  }
0xba: {  	s0 =	sor.u32 s1, s0  }
0xbb: {  	s0 =	sadd.s32 $0x8F2B, s0  }
0xbc: {  	[sflag:s0] =	ssyncadd.remote.s32 $0x1  }
0xbd: {  	_ =	sfence.sel $0xFFFF  }
0xbe: {  	[dreg:$0x0] =	wrdreg $0xFFFFFFFF;
	(pc) =	sbr.abs _section_cstart, $3  }
0xbf: {  	[dreg:$0x1] =	wrdreg $0xFFFFFFFF  }
0xc0: {  	_ =	task.clear_ibuf [dreg:s6], $0x2FFFF;
	_ =	strace $0x9FFFFFFF  }
0xc1: {  	(tm) =	ssettm $0x7FFFFFFF  }
tec
execute0_lowered:
.L_overlay_start_1:
0x0: {  	(tag) =	ssettag $0x1  }
0x1: {  	s0 =	rddreg [dreg:$0x0];
	s1 =	srdreg.scid  }
0x2: {  	s13 =	stileid.u32;
	s2 =	simm.s32 $0x0;
	s28 =	simm.s32 $0x640  }
0x3: {  	s29 =	simm.s32 $0x320;
	s30 =	simm.s32 $0x2;
	s31 =	simm.s32 $0x6A40  }
0x4: {  	s1 =	sand.u32 $0x1, s1;
	s3 =	sshll.u32 s13, $0x1;
	s23 =	smul.u32 $0x32000, s13  }
0x5: {  	s4 =	sor.u32 s1, s3;
	s5 =	ssub.s32 $0x2, s1;
	s1 =	smul.u32 $0x19000, s1  }
0x6: {  	[smem:$0x7FF] =	sst s2;
	s7 =	sadd.s32 $0x800, s0;
	s6 =	smul.u32 $0x19000, s4  }
0x7: {  	_ =	strace $0x80000047;
	s3 =	sadd.s32 $0x64800, s0;
	s12 =	smul.u32 $0x190000, s4  }
0x8: {  	s0 =	sadd.s32 $0x805A00, s0;
	s8 =	sshrl.u32 s5, $0x1;
	s4 =	smul.u32 $0xC80000, s4  }
0x9: {  	s5 =	ssub.s32 s5, s8;
	s1 =	sadd.s32 s1, s23;
	s25 =	sshrl.u32 s6, $0x3  }
0xa: {  	s26 =	sor.u32 $0x190, s6;
	s9 =	sor.u32 $0x320, s6;
	s17 =	sadd.s32 s0, s12  }
0xb: {  	s21 =	sadd.s32 $0x18CE0, s6;
	s4 =	sshrl.u32 s4, $0x3;
	s6 =	sadd.s32 $0x18E70, s6  }
0xc: {  	s12 =	sor.u32 $0xE10, s1;
	s5 =	smax.u32 s5, $0x1;
	s14 =	sadd.s32 s7, s25  }
0xd: {  	s10 =	sshrl.u32 s26, $0x3;
	s11 =	sshrl.u32 s9, $0x3;
	[dreg:$0xa] =	wrdreg s17  }
0xe: {  	s8 =	sshll.u32 s26, $0x4;
	s19 =	sshll.u32 s9, $0x4;
	[dreg:$0x16] =	wrdreg s5  }
0xf: {  	s22 =	sshrl.u32 s21, $0x3;
	s10 =	sadd.s32 s7, s10;
	[dreg:$0x6] =	wrdreg s14  }
0x10: {  	s4 =	sadd.s32 s0, s4;
	s15 =	sadd.s32 s7, s11;
	[dreg:$0x7] =	wrdreg s10  }
0x11: {  	s25 =	sshrl.u32 s6, $0x3;
	s16 =	sadd.s32 $0x96, s14;
	[dreg:$0x8] =	wrdreg s15  }
0x12: {  	s13 =	sshll.u32 s6, $0x4;
	s18 =	sadd.s32 $0xC8, s14;
	[dreg:$0x9] =	wrdreg s16  }
0x13: {  	s5 =	simm.s32 $0x40;
	s8 =	sadd.s32 s0, s8;
	[dreg:$0xb] =	wrdreg s18  }
0x14: {  	s6 =	simm.s32 $0x80;
	s20 =	sadd.s32 $0xFA, s14;
	[dreg:$0xc] =	wrdreg s8  }
0x15: {  	s9 =	sadd.s32 s7, s22;
	s24 =	sadd.s32 $0x188300, s4;
	[dreg:$0xd] =	wrdreg s20  }
0x16: {  	s26 =	sadd.s32 $0x189C00, s4;
	s4 =	sadd.s32 $0x18B500, s4;
	[dreg:$0xf] =	wrdreg s9  }
0x17: {  	s11 =	sshll.u32 s21, $0x4;
	s14 =	sshrl.u32 s12, $0x3;
	[dreg:$0x10] =	wrdreg s24  }
0x18: {  	s21 =	sor.u32 $0x960, s1;
	s12 =	simm.s32 $0x7;
	[dreg:$0x12] =	wrdreg s26  }
0x19: {  	s8 =	sadd.s32 s0, s19;
	s9 =	sadd.s32 s7, s25;
	[dreg:$0x13] =	wrdreg s4  }
0x1a: {  	s4 =	sadd.s32 s0, s11;
	s15 =	sadd.s32 s14, s7;
	s16 =	sor.u32 $0xC80, s1  }
0x1b: {  	s18 =	sor.u32 $0xAF0, s1;
	s1 =	sshll.u32 s1, $0x4;
	[dreg:$0xe] =	wrdreg s8  }
0x1c: {  	s22 =	sshll.u32 s21, $0x4;
	s23 =	sshrl.u32 s21, $0x3;
	[dreg:$0x11] =	wrdreg s9  }
0x1d: {  	s10 =	simm.s32 $0x4;
	s11 =	simm.s32 $0x13240;
	[dreg:$0x14] =	wrdreg s4  }
0x1e: {  	s14 =	simm.s32 $0x8;
	s4 =	sadd.s32 s0, s13;
	[dreg:$0x2] =	wrdreg s15  }
0x1f: {  	s17 =	sshrl.u32 s16, $0x3;
	s19 =	sshrl.u32 s18, $0x3;
	s1 =	sadd.s32 s1, s0  }
0x20: {  	s0 =	sadd.s32 s22, s0;
	s8 =	simm.s32 $0xCE40;
	[dreg:$0x15] =	wrdreg s4  }
0x21: {  	s9 =	simm.s32 $0x6;
	s4 =	sadd.s32 s17, s7;
	[dreg:$0x17] =	wrdreg s0  }
0x22: {  	s13 =	simm.s32 $0x9;
	s20 =	sadd.s32 s19, s7;
	[dreg:$0x3] =	wrdreg s4  }
0x23: {  	s15 =	simm.s32 $0xA;
	s24 =	sadd.s32 $0x7D00, s1;
	[dreg:$0x4] =	wrdreg s20  }
0x24: {  	s16 =	simm.s32 $0xB;
	s25 =	sadd.s32 $0x4B00, s1;
	[dreg:$0x18] =	wrdreg s24  }
0x25: {  	s18 =	simm.s32 $0x0;
	s0 =	sadd.s32 s23, s7;
	[dreg:$0x19] =	wrdreg s25  }
0x26: {  	s26 =	sadd.s32 $0x6400, s1;
	s1 =	simm.s32 $0x5;
	[dreg:$0x5] =	wrdreg s0  }
0x27: {  	s7 =	simm.s32 $0x3;
	s17 =	simm.s32 $0xC;
	[dreg:$0x1a] =	wrdreg s26  }
0x28: {  	s25 =	simm.s32 $0x190;
	s26 =	simm.s32 $0x1;
	s0 =	simm.s32 $0x4B0  }
.LBB2_1:
0x29: {  	[dreg:$0x1b] =	wrdreg s18  }
0x2a: {  	s4 =	rddreg [dreg:$0x6]  }
0x2b: {  	[tilespmem:s2], [sflag:$0x1] =	stream.linear.gather [hbm4b:s4+s2], $0x190, $0x38;
	[tilespmem:$0x19640] =	vst v63  }
0x2c: {  	s23 =	rddreg [dreg:$0x7]  }
0x2d: {  	[tilespmem:s25], [sflag:$0x2] =	stream.linear.gather [hbm4b:s23+s2], $0x190, $0x38;
	[tilespmem:$0x19640] =	vst v63  }
0x2e: {  	_ =	swait.ge [sflag:s26], $0x190  }
0x2f: {  	[sflag:s26] =	ssyncset.done $0x0  }
0x30: {  	[sflag:s26] =	ssyncadd.s32 $0xFFFFFE70  }
0x31: {  	[tilespmem:s28], [sflag:$0x5] =	stream.indirect.gather [hbm4b:s3+s25], $0x40, s2, s25, $0xb8;
	[tilespmem:$0x19640] =	vst v63  }
0x32: {  	s24 =	rddreg [dreg:$0x8]  }
0x33: {  	[tilespmem:s29], [sflag:$0x3] =	stream.linear.gather [hbm4b:s24+s2], $0x190, $0x38;
	[tilespmem:$0x19640] =	vst v63  }
0x34: {  	_ =	swait.ge [sflag:s30], $0x190  }
0x35: {  	[sflag:s30] =	ssyncset.done $0x0  }
0x36: {  	[sflag:s30] =	ssyncadd.s32 $0xFFFFFE70  }
0x37: {  	[tilespmem:s31], [sflag:$0x6] =	stream.indirect.gather [hbm4b:s3+s25], $0x40, s25, s25, $0xb8;
	[tilespmem:$0x19640] =	vst v63  }
0x38: {  	s18 =	rddreg [dreg:$0x9]  }
0x39: {  	[tilespmem:s0], [sflag:$0x4] =	stream.linear.gather [hbm4b:s18+s2], $0x190, $0x38;
	[tilespmem:$0x19640] =	vst v63  }
0x3a: {  	_ =	swait.ge [sflag:s1], $0x6400  }
0x3b: {  	[sflag:s1] =	ssyncset.done $0x0  }
0x3c: {  	s19 =	rddreg [dreg:$0xa];
	[sflag:s1] =	ssyncadd.s32 $0xFFFF9C00  }
0x3d: {  	[hbm4b:s19+s5] =	stream.strided.scatter [tilespmem:s28], [sflag:$0x9], $0x6400, s6, s5, $0x38;
	[tilespmem:$0x19640] =	vst v63  }
0x3e: {  	_ =	swait.ge [sflag:s7], $0x190  }
0x3f: {  	[sflag:s7] =	ssyncset.done $0x0  }
0x40: {  	[sflag:s7] =	ssyncadd.s32 $0xFFFFFE70  }
0x41: {  	[tilespmem:s8], [sflag:$0x7] =	stream.indirect.gather [hbm4b:s3+s25], $0x40, s29, s25, $0xb8;
	[tilespmem:$0x19640] =	vst v63  }
0x42: {  	s20 =	rddreg [dreg:$0xb]  }
0x43: {  	[tilespmem:s2], [sflag:$0x1] =	stream.linear.gather [hbm4b:s20+s2], $0x190, $0x38;
	[tilespmem:$0x19640] =	vst v63  }
0x44: {  	_ =	swait.ge [sflag:s9], $0x6400  }
0x45: {  	[sflag:s9] =	ssyncset.done $0x0  }
0x46: {  	s21 =	rddreg [dreg:$0xc];
	[sflag:s9] =	ssyncadd.s32 $0xFFFF9C00  }
0x47: {  	[hbm4b:s21+s5] =	stream.strided.scatter [tilespmem:s31], [sflag:$0xA], $0x6400, s6, s5, $0x38;
	[tilespmem:$0x19640] =	vst v63  }
0x48: {  	_ =	swait.ge [sflag:s10], $0x190  }
0x49: {  	[sflag:s10] =	ssyncset.done $0x0  }
0x4a: {  	[sflag:s10] =	ssyncadd.s32 $0xFFFFFE70  }
0x4b: {  	[tilespmem:s11], [sflag:$0x8] =	stream.indirect.gather [hbm4b:s3+s25], $0x40, s0, s25, $0xb8;
	[tilespmem:$0x19640] =	vst v63  }
0x4c: {  	s22 =	rddreg [dreg:$0xd]  }
0x4d: {  	[tilespmem:s25], [sflag:$0x2] =	stream.linear.gather [hbm4b:s22+s2], $0x190, $0x38;
	[tilespmem:$0x19640] =	vst v63  }
0x4e: {  	_ =	swait.ge [sflag:s12], $0x6400  }
0x4f: {  	[sflag:s12] =	ssyncset.done $0x0  }
0x50: {  	s23 =	rddreg [dreg:$0xe];
	[sflag:s12] =	ssyncadd.s32 $0xFFFF9C00  }
0x51: {  	[hbm4b:s23+s5] =	stream.strided.scatter [tilespmem:s8], [sflag:$0xB], $0x6400, s6, s5, $0x38;
	[tilespmem:$0x19640] =	vst v63  }
0x52: {  	_ =	swait.ge [sflag:s13], $0x6400  }
0x53: {  	[sflag:s13] =	ssyncset.done $0x0  }
0x54: {  	[sflag:s13] =	ssyncadd.s32 $0xFFFF9C00  }
0x55: {  	_ =	swait.ge [sflag:s26], $0x190  }
0x56: {  	[sflag:s26] =	ssyncset.done $0x0  }
0x57: {  	s24 =	rddreg [dreg:$0x5];
	[sflag:s26] =	ssyncadd.s32 $0xFFFFFE70  }
0x58: {  	[tilespmem:s28], [sflag:$0x5] =	stream.indirect.gather [hbm4b:s3+s25], $0x40, s2, s25, $0xb8;
	[tilespmem:$0x19640] =	vst v63  }
0x59: {  	s18 =	sadd.s32 $0x0, s24  }
0x5a: {  	[tilespmem:s29], [sflag:$0x3] =	stream.linear.gather [hbm4b:s18+s2], $0x190, $0x38;
	[tilespmem:$0x19640] =	vst v63  }
0x5b: {  	_ =	swait.ge [sflag:s14], $0x6400  }
0x5c: {  	[sflag:s14] =	ssyncset.done $0x0  }
0x5d: {  	s21 =	rddreg [dreg:$0x19];
	[sflag:s14] =	ssyncadd.s32 $0xFFFF9C00  }
0x5e: {  	[hbm4b:s21+s5] =	stream.strided.scatter [tilespmem:s11], [sflag:$0xC], $0x6400, s6, s5, $0x38;
	[tilespmem:$0x19640] =	vst v63  }
0x5f: {  	_ =	swait.ge [sflag:s15], $0x6400  }
0x60: {  	[sflag:s15] =	ssyncset.done $0x0  }
0x61: {  	[sflag:s15] =	ssyncadd.s32 $0xFFFF9C00  }
0x62: {  	_ =	swait.ge [sflag:s30], $0x190  }
0x63: {  	[sflag:s30] =	ssyncset.done $0x0  }
0x64: {  	s4 =	rddreg [dreg:$0x4];
	[sflag:s30] =	ssyncadd.s32 $0xFFFFFE70  }
0x65: {  	[tilespmem:s31], [sflag:$0x6] =	stream.indirect.gather [hbm4b:s3+s25], $0x40, s25, s25, $0xb8;
	[tilespmem:$0x19640] =	vst v63  }
0x66: {  	s18 =	sadd.s32 $0x0, s4  }
0x67: {  	[tilespmem:s0], [sflag:$0x4] =	stream.linear.gather [hbm4b:s18+s2], $0x190, $0x38;
	[tilespmem:$0x19640] =	vst v63  }
0x68: {  	_ =	swait.ge [sflag:s1], $0x6400  }
0x69: {  	[sflag:s1] =	ssyncset.done $0x0  }
0x6a: {  	s20 =	rddreg [dreg:$0x1a];
	[sflag:s1] =	ssyncadd.s32 $0xFFFF9C00  }
0x6b: {  	[hbm4b:s20+s5] =	stream.strided.scatter [tilespmem:s28], [sflag:$0x9], $0x6400, s6, s5, $0x38;
	[tilespmem:$0x19640] =	vst v63  }
0x6c: {  	_ =	swait.ge [sflag:s16], $0x6400  }
0x6d: {  	[sflag:s16] =	ssyncset.done $0x0  }
0x6e: {  	[sflag:s16] =	ssyncadd.s32 $0xFFFF9C00  }
0x6f: {  	_ =	swait.ge [sflag:s7], $0x190  }
0x70: {  	[sflag:s7] =	ssyncset.done $0x0  }
0x71: {  	s19 =	rddreg [dreg:$0x3];
	[sflag:s7] =	ssyncadd.s32 $0xFFFFFE70  }
0x72: {  	[tilespmem:s8], [sflag:$0x7] =	stream.indirect.gather [hbm4b:s3+s25], $0x40, s29, s25, $0xb8;
	[tilespmem:$0x19640] =	vst v63  }
0x73: {  	s18 =	sadd.s32 $0x0, s19  }
0x74: {  	[tilespmem:s2], [sflag:$0x1] =	stream.linear.gather [hbm4b:s18+s2], $0x190, $0x38;
	[tilespmem:$0x19640] =	vst v63  }
0x75: {  	_ =	swait.ge [sflag:s9], $0x6400  }
0x76: {  	[sflag:s9] =	ssyncset.done $0x0  }
0x77: {  	s22 =	rddreg [dreg:$0x18];
	[sflag:s9] =	ssyncadd.s32 $0xFFFF9C00  }
0x78: {  	[hbm4b:s22+s5] =	stream.strided.scatter [tilespmem:s31], [sflag:$0xA], $0x6400, s6, s5, $0x38;
	[tilespmem:$0x19640] =	vst v63  }
0x79: {  	_ =	swait.ge [sflag:s17], $0x6400  }
0x7a: {  	[sflag:s17] =	ssyncset.done $0x0  }
0x7b: {  	[sflag:s17] =	ssyncadd.s32 $0xFFFF9C00  }
0x7c: {  	_ =	swait.ge [sflag:s10], $0x190  }
0x7d: {  	[sflag:s10] =	ssyncset.done $0x0  }
0x7e: {  	s24 =	rddreg [dreg:$0x2];
	[sflag:s10] =	ssyncadd.s32 $0xFFFFFE70  }
0x7f: {  	[tilespmem:s11], [sflag:$0x8] =	stream.indirect.gather [hbm4b:s3+s25], $0x40, s0, s25, $0xb8;
	[tilespmem:$0x19640] =	vst v63  }
0x80: {  	s18 =	sadd.s32 $0x0, s24  }
0x81: {  	[tilespmem:s25], [sflag:$0x2] =	stream.linear.gather [hbm4b:s18+s2], $0x190, $0x38;
	[tilespmem:$0x19640] =	vst v63  }
0x82: {  	s21 =	sadd.s32 $0x6400, s21;
	s20 =	sadd.s32 $0x6400, s20;
	_ =	swait.ge [sflag:s12], $0x6400  }
0x83: {  	s22 =	sadd.s32 $0x6400, s22;
	[sflag:s12] =	ssyncset.done $0x0;
	s23 =	rddreg [dreg:$0x17]  }
0x84: {  	s18 =	simm.s32 $0xC8;
	s19 =	sadd.s32 $0x6400, s23;
	[sflag:s12] =	ssyncadd.s32 $0xFFFF9C00  }
.LBB2_2:
0x85: {  	[hbm4b:s23+s5] =	stream.strided.scatter [tilespmem:s8], [sflag:$0xB], $0x6400, s6, s5, $0x38;
	[tilespmem:$0x19640] =	vst v63  }
0x86: {  	_ =	swait.ge [sflag:s13], $0x6400  }
0x87: {  	[sflag:s13] =	ssyncset.done $0x0  }
0x88: {  	[sflag:s13] =	ssyncadd.s32 $0xFFFF9C00  }
0x89: {  	_ =	swait.ge [sflag:s26], $0x190  }
0x8a: {  	[sflag:s26] =	ssyncset.done $0x0  }
0x8b: {  	s24 =	smov.u32 s18;
	s4 =	rddreg [dreg:$0x5];
	[sflag:s26] =	ssyncadd.s32 $0xFFFFFE70  }
0x8c: {  	[tilespmem:s28], [sflag:$0x5] =	stream.indirect.gather [hbm4b:s3+s25], $0x40, s2, s25, $0xb8;
	[tilespmem:$0x19640] =	vst v63  }
0x8d: {  	s4 =	sadd.s32 s24, s4  }
0x8e: {  	[tilespmem:s29], [sflag:$0x3] =	stream.linear.gather [hbm4b:s4+s2], $0x190, $0x38;
	[tilespmem:$0x19640] =	vst v63  }
0x8f: {  	_ =	swait.ge [sflag:s14], $0x6400  }
0x90: {  	[sflag:s14] =	ssyncset.done $0x0  }
0x91: {  	[sflag:s14] =	ssyncadd.s32 $0xFFFF9C00  }
0x92: {  	[hbm4b:s21+s5] =	stream.strided.scatter [tilespmem:s11], [sflag:$0xC], $0x6400, s6, s5, $0x38;
	[tilespmem:$0x19640] =	vst v63  }
0x93: {  	_ =	swait.ge [sflag:s15], $0x6400  }
0x94: {  	[sflag:s15] =	ssyncset.done $0x0  }
0x95: {  	[sflag:s15] =	ssyncadd.s32 $0xFFFF9C00  }
0x96: {  	_ =	swait.ge [sflag:s30], $0x190  }
0x97: {  	[sflag:s30] =	ssyncset.done $0x0  }
0x98: {  	s4 =	rddreg [dreg:$0x4];
	[sflag:s30] =	ssyncadd.s32 $0xFFFFFE70  }
0x99: {  	[tilespmem:s31], [sflag:$0x6] =	stream.indirect.gather [hbm4b:s3+s25], $0x40, s25, s25, $0xb8;
	[tilespmem:$0x19640] =	vst v63  }
0x9a: {  	s4 =	sadd.s32 s24, s4  }
0x9b: {  	[tilespmem:s0], [sflag:$0x4] =	stream.linear.gather [hbm4b:s4+s2], $0x190, $0x38;
	[tilespmem:$0x19640] =	vst v63  }
0x9c: {  	_ =	swait.ge [sflag:s1], $0x6400  }
0x9d: {  	[sflag:s1] =	ssyncset.done $0x0  }
0x9e: {  	[sflag:s1] =	ssyncadd.s32 $0xFFFF9C00  }
0x9f: {  	[hbm4b:s20+s5] =	stream.strided.scatter [tilespmem:s28], [sflag:$0x9], $0x6400, s6, s5, $0x38;
	[tilespmem:$0x19640] =	vst v63  }
0xa0: {  	_ =	swait.ge [sflag:s16], $0x6400  }
0xa1: {  	[sflag:s16] =	ssyncset.done $0x0  }
0xa2: {  	[sflag:s16] =	ssyncadd.s32 $0xFFFF9C00  }
0xa3: {  	_ =	swait.ge [sflag:s7], $0x190  }
0xa4: {  	[sflag:s7] =	ssyncset.done $0x0  }
0xa5: {  	s4 =	rddreg [dreg:$0x3];
	[sflag:s7] =	ssyncadd.s32 $0xFFFFFE70  }
0xa6: {  	[tilespmem:s8], [sflag:$0x7] =	stream.indirect.gather [hbm4b:s3+s25], $0x40, s29, s25, $0xb8;
	[tilespmem:$0x19640] =	vst v63  }
0xa7: {  	s4 =	sadd.s32 s24, s4  }
0xa8: {  	[tilespmem:s2], [sflag:$0x1] =	stream.linear.gather [hbm4b:s4+s2], $0x190, $0x38;
	[tilespmem:$0x19640] =	vst v63  }
0xa9: {  	_ =	swait.ge [sflag:s9], $0x6400  }
0xaa: {  	[sflag:s9] =	ssyncset.done $0x0  }
0xab: {  	[sflag:s9] =	ssyncadd.s32 $0xFFFF9C00  }
0xac: {  	[hbm4b:s22+s5] =	stream.strided.scatter [tilespmem:s31], [sflag:$0xA], $0x6400, s6, s5, $0x38;
	[tilespmem:$0x19640] =	vst v63  }
0xad: {  	_ =	swait.ge [sflag:s17], $0x6400  }
0xae: {  	[sflag:s17] =	ssyncset.done $0x0  }
0xaf: {  	[sflag:s17] =	ssyncadd.s32 $0xFFFF9C00  }
0xb0: {  	_ =	swait.ge [sflag:s10], $0x190  }
0xb1: {  	[sflag:s10] =	ssyncset.done $0x0  }
0xb2: {  	p0 =	sne.s32 s18, $0x2FA8;
	s4 =	rddreg [dreg:$0x2];
	[sflag:s10] =	ssyncadd.s32 $0xFFFFFE70  }
0xb3: {  	[tilespmem:s11], [sflag:$0x8] =	stream.indirect.gather [hbm4b:s3+s25], $0x40, s0, s25, $0xb8;
	[tilespmem:$0x19640] =	vst v63  }
.Ltmp0:
0xb4: {  	s4 =	sadd.s32 s24, s4;
	(pc) =	sbr.rel @p0 .LBB2_2-.Ltmp0, $4  }
0xb5: {  	[tilespmem:s25], [sflag:$0x2] =	stream.linear.gather [hbm4b:s4+s2], $0x190, $0x38;
	[tilespmem:$0x19640] =	vst v63  }
0xb6: {  	s23 =	smov.u32 s19;
	s18 =	sadd.s32 $0xC8, s18;
	_ =	swait.ge [sflag:s12], $0x6400  }
0xb7: {  	s19 =	sadd.s32 $0x6400, s19;
	s21 =	sadd.s32 $0x6400, s21;
	[sflag:s12] =	ssyncset.done $0x0  }
0xb8: {  	s20 =	sadd.s32 $0x6400, s20;
	s22 =	sadd.s32 $0x6400, s22;
	[sflag:s12] =	ssyncadd.s32 $0xFFFF9C00  }
0xb9: {  	[hbm4b:s23+s5] =	stream.strided.scatter [tilespmem:s8], [sflag:$0xB], $0x6400, s6, s5, $0x38;
	[tilespmem:$0x19640] =	vst v63  }
0xba: {  	_ =	swait.ge [sflag:s13], $0x6400  }
0xbb: {  	[sflag:s13] =	ssyncset.done $0x0  }
0xbc: {  	[sflag:s13] =	ssyncadd.s32 $0xFFFF9C00  }
0xbd: {  	_ =	swait.ge [sflag:s26], $0x190  }
0xbe: {  	[sflag:s26] =	ssyncset.done $0x0  }
0xbf: {  	[sflag:s26] =	ssyncadd.s32 $0xFFFFFE70  }
0xc0: {  	[tilespmem:s28], [sflag:$0x5] =	stream.indirect.gather [hbm4b:s3+s25], $0x40, s2, s25, $0xb8;
	[tilespmem:$0x19640] =	vst v63  }
0xc1: {  	s4 =	rddreg [dreg:$0xf]  }
0xc2: {  	[tilespmem:s29], [sflag:$0x3] =	stream.linear.gather [hbm4b:s4+s2], $0x190, $0x38;
	[tilespmem:$0x19640] =	vst v63  }
0xc3: {  	_ =	swait.ge [sflag:s14], $0x6400  }
0xc4: {  	[sflag:s14] =	ssyncset.done $0x0  }
0xc5: {  	s18 =	rddreg [dreg:$0x10];
	[sflag:s14] =	ssyncadd.s32 $0xFFFF9C00  }
0xc6: {  	[hbm4b:s18+s5] =	stream.strided.scatter [tilespmem:s11], [sflag:$0xC], $0x6400, s6, s5, $0x38;
	[tilespmem:$0x19640] =	vst v63  }
0xc7: {  	_ =	swait.ge [sflag:s15], $0x6400  }
0xc8: {  	[sflag:s15] =	ssyncset.done $0x0  }
0xc9: {  	[sflag:s15] =	ssyncadd.s32 $0xFFFF9C00  }
0xca: {  	_ =	swait.ge [sflag:s30], $0x190  }
0xcb: {  	[sflag:s30] =	ssyncset.done $0x0  }
0xcc: {  	[sflag:s30] =	ssyncadd.s32 $0xFFFFFE70  }
0xcd: {  	[tilespmem:s31], [sflag:$0x6] =	stream.indirect.gather [hbm4b:s3+s25], $0x40, s25, s25, $0xb8;
	[tilespmem:$0x19640] =	vst v63  }
0xce: {  	s19 =	rddreg [dreg:$0x11]  }
0xcf: {  	[tilespmem:s0], [sflag:$0x4] =	stream.linear.gather [hbm4b:s19+s2], $0x190, $0x38;
	[tilespmem:$0x19640] =	vst v63  }
0xd0: {  	_ =	swait.ge [sflag:s1], $0x6400  }
0xd1: {  	[sflag:s1] =	ssyncset.done $0x0  }
0xd2: {  	s20 =	rddreg [dreg:$0x12];
	[sflag:s1] =	ssyncadd.s32 $0xFFFF9C00  }
0xd3: {  	[hbm4b:s20+s5] =	stream.strided.scatter [tilespmem:s28], [sflag:$0x9], $0x6400, s6, s5, $0x38;
	[tilespmem:$0x19640] =	vst v63  }
0xd4: {  	_ =	swait.ge [sflag:s16], $0x6400  }
0xd5: {  	[sflag:s16] =	ssyncset.done $0x0  }
0xd6: {  	[sflag:s16] =	ssyncadd.s32 $0xFFFF9C00  }
0xd7: {  	_ =	swait.ge [sflag:s7], $0x190  }
0xd8: {  	[sflag:s7] =	ssyncset.done $0x0  }
0xd9: {  	[sflag:s7] =	ssyncadd.s32 $0xFFFFFE70  }
0xda: {  	[tilespmem:s8], [sflag:$0x7] =	stream.indirect.gather [hbm4b:s3+s25], $0x40, s29, s25, $0xb8;
	[tilespmem:$0x19640] =	vst v63  }
0xdb: {  	_ =	swait.ge [sflag:s9], $0x6400  }
0xdc: {  	[sflag:s9] =	ssyncset.done $0x0  }
0xdd: {  	s21 =	rddreg [dreg:$0x13];
	[sflag:s9] =	ssyncadd.s32 $0xFFFF9C00  }
0xde: {  	[hbm4b:s21+s5] =	stream.strided.scatter [tilespmem:s31], [sflag:$0xA], $0x6400, s6, s5, $0x38;
	[tilespmem:$0x19640] =	vst v63  }
0xdf: {  	_ =	swait.ge [sflag:s17], $0x6400  }
0xe0: {  	[sflag:s17] =	ssyncset.done $0x0  }
0xe1: {  	[sflag:s17] =	ssyncadd.s32 $0xFFFF9C00  }
0xe2: {  	_ =	swait.ge [sflag:s10], $0x190  }
0xe3: {  	[sflag:s10] =	ssyncset.done $0x0  }
0xe4: {  	[sflag:s10] =	ssyncadd.s32 $0xFFFFFE70  }
0xe5: {  	[tilespmem:s11], [sflag:$0x8] =	stream.indirect.gather [hbm4b:s3+s25], $0x40, s0, s25, $0xb8;
	[tilespmem:$0x19640] =	vst v63  }
0xe6: {  	_ =	swait.ge [sflag:s12], $0x6400  }
0xe7: {  	[sflag:s12] =	ssyncset.done $0x0  }
0xe8: {  	s22 =	rddreg [dreg:$0x14];
	[sflag:s12] =	ssyncadd.s32 $0xFFFF9C00  }
0xe9: {  	[hbm4b:s22+s5] =	stream.strided.scatter [tilespmem:s8], [sflag:$0xB], $0x6400, s6, s5, $0x38;
	[tilespmem:$0x19640] =	vst v63  }
0xea: {  	_ =	swait.ge [sflag:s14], $0x6400  }
0xeb: {  	[sflag:s14] =	ssyncset.done $0x0  }
0xec: {  	s23 =	rddreg [dreg:$0x15];
	[sflag:s14] =	ssyncadd.s32 $0xFFFF9C00  }
0xed: {  	[hbm4b:s23+s5] =	stream.strided.scatter [tilespmem:s11], [sflag:$0xC], $0x6400, s6, s5, $0x38;
	[tilespmem:$0x19640] =	vst v63  }
0xee: {  	_ =	swait.ge [sflag:s13], $0x6400  }
0xef: {  	[sflag:s13] =	ssyncset.done $0x0  }
0xf0: {  	[sflag:s13] =	ssyncadd.s32 $0xFFFF9C00  }
0xf1: {  	_ =	swait.ge [sflag:s15], $0x6400  }
0xf2: {  	[sflag:s15] =	ssyncset.done $0x0  }
0xf3: {  	[sflag:s15] =	ssyncadd.s32 $0xFFFF9C00  }
0xf4: {  	_ =	swait.ge [sflag:s16], $0x6400  }
0xf5: {  	[sflag:s16] =	ssyncset.done $0x0  }
0xf6: {  	[sflag:s16] =	ssyncadd.s32 $0xFFFF9C00  }
0xf7: {  	_ =	swait.ge [sflag:s17], $0x6400  }
0xf8: {  	s18 =	rddreg [dreg:$0x1b]  }
0xf9: {  	s24 =	rddreg [dreg:$0x16];
	s18 =	sadd.s32 $0x1, s18  }
0xfa: {  	p0 =	sne.s32 s18, s24  }
.Ltmp1:
0xfb: {  	_ = 	snop;
	(pc) =	sbr.rel @p0 .LBB2_1-.Ltmp1, $3  }
0xfc: {  	_ =	sdelay $0x1  }
0xfd: {  	[sflag:s17] =	ssyncset.done $0x0  }
0xfe: {  	[sflag:s17] =	ssyncadd.s32 $0xFFFF9C00  }
0xff: {  	_ =	sfence.sel $0x180000  }
0x100: {  	[bflag:$0x0] =	sbarrier.arrive $0xFFFF  }
0x101: {  	_ =	strace $0x90000047  }
0x102: {  	s0 =	stileid.u32;
	[bflag:$0x2] =	sbarrier.arrive $0xFFFF  }
0x103: {  	p0 =	sne.s32 s0, $0x0;
	s0 =	rddreg [dreg:$0x1]  }
0x104: {  	s0 =	sadd.s32 @!p0 $0x100000, s0  }
0x105: {  	[sflag:s0] =	ssyncadd.tile.s32 @!p0 $0x1;
	_ =	shalt  }
.Lfunc_end2:
_tile_overlayer_lowered:
.L_overlay_start_2:
0x106: {  	(tag) =	ssettag $0x2  }
0x107: {  	s0 =	rddreg [dreg:$0x0];
	s2 =	stileid.u32  }
0x108: {  	s1 =	rddreg [dreg:$0x1];
	p0 =	sne.s32 s2, $0x0  }
0x109: {  	s3 =	rddreg [dreg:$0x2];
	[bflag:$0x3] =	sbarrier.arrive $0xFFFF;
	s2 =	simm.s32 @!p0 $0x1C0D  }
0x10a: {  	[timem:s3], [sflag:s2] =	dma.local @!p0 [hbm:s0], s1  }
0x10b: {  	s0 =	simm.s32 @!p0 $0xD  }
0x10c: {  	_ =	swait.ge @!p0 [sflag:s0], s1  }
0x10d: {  	s1 =	ssub.s32 @!p0 $0x0, s1;
	[sflag:s0] =	ssyncset.done @!p0 $0x0  }
0x10e: {  	[sflag:s0] =	ssyncadd.s32 @!p0 s1  }
0x10f: {  	[bflag:$0x3] =	sbarrier.arrive $0xFFFF  }
0x110: {  	_ =	shalt  }

// kernel: sparse-core-data-format-call.cloned.1.call-start
scs
called_computation_lowered:
.L_overlay_start_0:
0x0: {  	s2 =	sld [smem:$0x3FD9]  }
0x1: {  	s3 =	sld [smem:$0x3FFE];
	_ =	sdelay $0x1  }
0x2: {  	s1 =	srdreg.scid  }
0x3: {  	s0 =	sand.u32 $0x1, s1  }
0x4: {  	s18 =	sshll.u32 s0, $0xA;
	s2 =	sadd.s32 s3, s2  }
0x5: {  	s2 =	sadd.s32 s2, s18  }
0x6: {  	[smem:$0x3FC6] =	sst s2  }
0x7: {  	_ = 	snop  }
0x8: {  	s2 =	sld [smem:$0x3FD0];
	(tm) =	ssettm $0x1  }
0x9: {  	s19 =	sld [smem:$0x3FFB];
	_ =	sdelay $0x3  }
0xa: {  	_ =	strace s19  }
0xb: {  	s3 =	sld [smem:$0x3FFC];
	_ =	sdelay $0x3  }
0xc: {  	_ =	strace s3  }
0xd: {  	s3 =	sld [smem:$0x3FFD];
	_ =	sdelay $0x3  }
0xe: {  	_ =	strace s3  }
0xf: {  	_ =	strace $0x8FFFFFFF  }
0x10: {  	s20 =	sld [smem:$0x3FDB];
	_ =	sdelay $0x1  }
0x11: {  	s4 =	simm.s32 $_scs_section_size  }
0x12: {  	s5 =	simm.s32 $_size__tile_overlayer_lowered;
	s6 =	simm.s32 $_tile_overlayer_lowered  }
0x13: {  	s23 =	simm.s32 $0x1BFF;
	s22 =	sshll.u32 s6, $0x1;
	s3 =	sadd.s32 s4, s20  }
0x14: {  	s7 =	simm.s32 $0x0;
	s21 =	sshll.u32 s5, $0x1;
	s5 =	sadd.s32 s22, s3  }
0x15: {  	[timem:s7], [sflag:s23] =	dma.local [hbm:s5], s21  }
0x16: {  	_ =	swait.ge [sflag:s23], s21  }
0x17: {  	s4 =	ssub.s32 $0x0, s21;
	[sflag:s23] =	ssyncset.done $0x0  }
0x18: {  	[sflag:s23] =	ssyncadd.s32 s4;
	_ =	sdelay $0x1  }
0x19: {  	s24 =	simm.s32 $0x1B8B  }
0x1a: {  	_ =	swait.ge [sflag:s24], $0x1  }
0x1b: {  	[sflag:s24] =	ssyncset.done $0x0  }
0x1c: {  	s26 =	simm.s32 $0x1B8E;
	s25 =	sld [smem:$0x3FFE];
	[sflag:s24] =	ssyncadd.s32 $0xFFFFFFFF  }
0x1d: {  	s27 =	simm.s32 $execute0_lowered;
	[smem:$0x3FD2] =	sst s26  }
0x1e: {  	s5 =	sshll.u32 s27, $0x1;
	_ =	strace $0x80000049;
	[dreg:$0x1] =	wrdreg $0xFFFFFFFF  }
0x1f: {  	s28 =	simm.s32 $_size_execute0_lowered;
	s3 =	sadd.s32 s3, s5;
	[dreg:$0x0] =	wrdreg $0x0  }
0x20: {  	s5 =	sshll.u32 s28, $0x1;
	[dreg:$0x2] =	wrdreg s3  }
0x21: {  	[dreg:$0x3] =	wrdreg s5  }
0x22: {  	[dreg:$0x4] =	wrdreg $0xC0  }
0x23: {  	_ =	task [dreg:s7], $0x5FFFF  }
0x24: {  	[dreg:$0x1] =	wrdreg $0xFFFFFFFF  }
0x25: {  	[dreg:$0x0] =	wrdreg $0x60  }
0x26: {  	[dreg:$0x2] =	wrdreg s25  }
0x27: {  	[dreg:$0x3] =	wrdreg s2  }
0x28: {  	[dreg:$0x4] =	wrdreg $0x9  }
0x29: {  	_ =	task.clear_ibuf [dreg:s7], $0x5FFFF;
	_ =	strace $0x90000049  }
0x2a: {  	s29 =	simm.s32 $0x9;
	_ =	strace $0x8000004B  }
0x2b: {  	_ =	swait.ge [sflag:s29], $0x1  }
0x2c: {  	[sflag:s29] =	ssyncadd.s32 $0xFFFFFFFF  }
0x2d: {  	_ =	strace $0x9000004B  }
0x2e: {  	_ =	sfence  }
0x2f: {  	s30 =	sld [smem:$0x0];
	_ =	sdelay $0x2  }
0x30: {  	s31 =	sshll.u32 s1, $0xD;
	s1 =	sshrl.u32 s1, $0x2  }
0x31: {  	s3 =	sand.u32 $0x4000, s31;
	s1 =	sadd.s32 s1, s30  }
0x32: {  	s0 =	sor.u32 s3, s0;
	s1 =	sshll.u32 s1, $0x11  }
0x33: {  	s0 =	sor.u32 s1, s0  }
0x34: {  	s0 =	sadd.s32 $0x8F2B, s0  }
0x35: {  	[sflag:s0] =	ssyncadd.remote.s32 $0x1  }
0x36: {  	_ =	sfence.sel $0xFFFF  }
0x37: {  	[dreg:$0x0] =	wrdreg $0xFFFFFFFF;
	(pc) =	sbr.abs _section_cstart, $3  }
0x38: {  	[dreg:$0x1] =	wrdreg $0xFFFFFFFF  }
0x39: {  	_ =	task.clear_ibuf [dreg:s7], $0x2FFFF;
	_ =	strace $0x9FFFFFFF  }
0x3a: {  	(tm) =	ssettm $0x7FFFFFFF  }
0x3b: {  	_ =	shalt  }
tec
execute0_lowered:
.L_overlay_start_1:
0x0: {  	(tag) =	ssettag $0x1  }
0x1: {  	s0 =	srdreg.scid  }
0x2: {  	s1 =	sshll.u32 s0, $0x4  }
0x3: {  	s0 =	stileid.u32;
	s1 =	sand.u32 $0x10, s1  }
0x4: {  	s1 =	sor.u32 s0, s1  }
0x5: {  	s6 =	rddreg [dreg:$0x0];
	s4 =	simm.s32 $0x1;
	s2 =	sshll.u32 s1, $0x7  }
0x6: {  	s7 =	simm.s32 $0x2;
	s12 =	simm.s32 $0x0;
	s1 =	ssub.s32 $0x4000, s2  }
0x7: {  	s8 =	simm.s32 $0x20000;
	s13 =	simm.s32 $0x0;
	s3 =	sand.u32 $0xF80, s1  }
0x8: {  	s9 =	simm.s32 $0x0;
	s5 =	sshrl.u32 s1, $0xC;
	p0 =	sne.s32 s3, $0x0  }
.Ltmp0:
0x9: {  	s1 =	rddreg [dreg:$0x2];
	s4 =	simm.s32 @!p0 $0x0;
	(pc) =	sbr.rel .LBB1_1-.Ltmp0, $4  }
0xa: {  	s11 =	simm.s32 $0x0;
	s3 =	rddreg [dreg:$0x1];
	s5 =	sadd.s32 s4, s5  }
0xb: {  	_ =	strace $0x8000004A;
	s4 =	simm.s32 $0x1;
	s5 =	smul.u32 $0xC8, s5  }
0xc: {  	s6 =	sadd.s32 $0x805A00, s6;
	s10 =	smov.u32 s2;
	[sflag:s4] =	ssyncpa.u1 $0x0  }
0xd: {  	p0 =	por $0x0, $0x0;
	[sflag:s7] =	ssyncpa.u1 $0x0;
	s7 =	sor.u32 $0x1, s5  }
.LBB1_4:
0xe: {  	s16 =	sshll.u32 s13, $0x3;
	s17 =	sand.u32 $0x78, s13  }
0xf: {  	s30 =	sand.u32 $0x1F800, s13;
	s12 =	sshll.u32 s12, $0x11;
	s16 =	sand.u32 $0x3C00, s16  }
0x10: {  	[tilespmem:s15+$0x810 ss:$0x81] =	vst.msk $0xffff, v2;
	s31 =	sand.u32 $0x7, s13;
	s16 =	sor.u32 s17, s16;
	s17 =	sadd.s32 s3, s30  }
0x11: {  	[tilespmem:s15+$0x1020 ss:$0x81] =	vst.msk $0xffff, v0;
	s13 =	sshll.u32 s31, $0x12;
	s12 =	sadd.s32 s12, s17;
	s16 =	sshrl.u32 s16, $0x3  }
0x12: {  	[tilespmem:s15+$0x0 ss:$0x81] =	vst.msk $0xffff, v1;
	s13 =	sor.u32 $0x400, s13;
	s12 =	sadd.s32 s16, s12  }
0x13: {  	[hbm4b:s12+s13] =	stream.strided.scatter [tilespmem:s14], [sflag:$0x2], $0x2000, s8, s13, $0x20;
	[tilespmem:$0x8080] =	vst v63  }
.LBB1_5:
0x14: {  	s14 =	sadd.s32 $0x1, s9  }
0x15: {  	s12 =	sadd.s32 $0x1000, s10;
	s16 =	smov.u32 s10;
	p2 =	sgt.s32 s14, $0xC7  }
0x16: {  	s16 =	smov.u32 @p2 s12  }
0x17: {  	s14 =	simm.s32 @p2 $0x0;
	p2 =	sgt.s32 s16, $0x3FFF  }
0x18: {  	s16 =	smov.u32 @p2 s2;
	p2 =	sne.s32 s11, s7  }
.Ltmp1:
0x19: {  	p1 =	slt.u32 s11, $0x2;
	(pc) =	sbr.rel @!p2 .LBB1_6-.Ltmp1, $4  }
0x1a: {  	s15 =	simm.s32 @!p1 $0x2  }
0x1b: {  	s13 =	smov.u32 s10;
	p0 =	por !p0, !p0;
	_ =	swait.ge @!p1 [sflag:s15], $0x2000  }
0x1c: {  	s12 =	smov.u32 s9;
	[sflag:s15] =	ssyncset.done @!p1 $0x0;
	s9 =	smov.u32 s14  }
0x1d: {  	s11 =	sadd.s32 $0x1, s11;
	[sflag:s15] =	ssyncadd.s32 @!p1 $0xFFFFE000;
	s10 =	smov.u32 s16  }
.LBB1_1:
0x1e: {  	p1 =	sge.u32 s11, s5  }
0x1f: {  	s14 =	sand.u32 @!p1 $0x1FFFFFF, s9  }
0x20: {  	s15 =	smulhi.u32 @!p1 $0x147AE15, s14;
	_ =	sdelay $0x1  }
0x21: {  	s15 =	smul.u32 @!p1 $0xC8, s15  }
0x22: {  	s16 =	sxor.u32 @!p1 $0xFFFFFFFF, s11;
	s17 =	smul.u32 @!p1 $0xC80, s10  }
0x23: {  	s31 =	sadd.s32 $0xFFFFFFFF, s11;
	s16 =	sshll.u32 @!p1 s16, $0xD;
	s14 =	ssub.s32 @!p1 s14, s15  }
0x24: {  	s15 =	sand.u32 @!p1 $0x2000, s16;
	s16 =	sadd.s32 @!p1 s6, s17;
	s14 =	sshll.u32 @!p1 s14, $0x4  }
0x25: {  	s17 =	simm.s32 @!p1 $0x6400;
	s14 =	sadd.s32 @!p1 s14, s16;
	s16 =	simm.s32 @!p1 $0x40  }
0x26: {  	[tilespmem:s15], [sflag:$0x1] =	stream.strided.gather @!p1 [hbm4b:s14+s16], $0x2000, s17, s16, $0x38;
	[tilespmem:$0x8080] =	vst v63  }
0x27: {  	p1 =	sge.u32 s31, s5  }
.Ltmp2:
0x28: {  	_ = 	snop;
	(pc) =	sbr.rel @p1 .LBB1_5-.Ltmp2, $1  }
0x29: {  	_ =	sdelay $0x3  }
0x2a: {  	s14 =	simm.s32 $0x1  }
0x2b: {  	_ =	swait.ge [sflag:s4], $0x2000;
	s14 =	simm.s32 @!p0 $0x0  }
0x2c: {  	[sflag:s4] =	ssyncset.done $0x0;
	s15 =	sshll.u32 s14, $0xD  }
0x2d: {  	[sflag:s4] =	ssyncadd.s32 $0xFFFFE000;
	s18 =	sor.u32 $0x20, s15  }
0x2e: {  	s14 =	smul.u32 $0x8100, s14;
	v3 =	vld [tilespmem:s18+$0x10]  }
0x2f: {  	s30 =	sand.u32 $0x1, s11;
	v2 =	vld [tilespmem:s18+$0xFFFFFFF0]  }
0x30: {  	s15 =	smul.u32 $0x8100, s30;
	s14 =	sshrl.u32 s14, $0x2;
	v0 =	vld [tilespmem:s18+$0x0]  }
0x31: {  	v1 =	vld [tilespmem:s18+$0xFFFFFFE0];
	s16 =	sor.u32 $0x4000, s14  }
0x32: {  	s31 =	sshrl.u32 s15, $0x2;
	s15 =	sadd.s32 $0x0, s16  }
0x33: {  	s17 =	simm.s32 $0x4;
	s18 =	sadd.s32 $0x40, s18;
	s14 =	sor.u32 $0x4000, s31;
	[tilespmem:s15+$0x1830 ss:$0x81] =	vst.msk $0xffff, v3  }
.LBB1_3:
0x34: {  	v3 =	vld [tilespmem:s18+$0x10];
	p1 =	sne.s32 s17, $0x1FC;
	[tilespmem:s15+$0x810 ss:$0x81] =	vst.msk $0xffff, v2;
	s19 =	smov.u32 s17;
	s17 =	sadd.s32 $0x4, s17  }
.Ltmp3:
0x35: {  	v2 =	vld [tilespmem:s18+$0xFFFFFFF0];
	[tilespmem:s15+$0x1020 ss:$0x81] =	vst.msk $0xffff, v0;
	(pc) =	sbr.rel @p1 .LBB1_3-.Ltmp3, $4  }
0x36: {  	v0 =	vld [tilespmem:s18+$0x0];
	[tilespmem:s15+$0x0 ss:$0x81] =	vst.msk $0xffff, v1  }
0x37: {  	s15 =	sshra.s32 s19, $0x2;
	v1 =	vld [tilespmem:s18+$0xFFFFFFE0]  }
0x38: {  	s15 =	sadd.s32 s15, s16  }
0x39: {  	s18 =	sadd.s32 $0x40, s18;
	[tilespmem:s15+$0x1830 ss:$0x81] =	vst.msk $0xffff, v3  }
.Ltmp4:
0x3a: {  	_ = 	snop;
	(pc) =	sbr.rel .LBB1_4-.Ltmp4, $1  }
0x3b: {  	_ =	sdelay $0x3  }
.LBB1_6:
0x3c: {  	_ =	sfence.sel $0x180000  }
0x3d: {  	s2 =	simm.s32 $0x1;
	[bflag:$0x0] =	sbarrier.arrive $0xFFFF  }
0x3e: {  	s31 =	simm.s32 $0x2;
	[sflag:s2] =	ssyncpa.u1 $0x1  }
0x3f: {  	[sflag:s31] =	ssyncpa.u1 $0x1  }
0x40: {  	p0 =	sne.s32 s0, $0x0;
	_ =	strace $0x9000004A  }
0x41: {  	s0 =	sadd.s32 @!p0 $0x100000, s1;
	[bflag:$0x2] =	sbarrier.arrive $0xFFFF  }
0x42: {  	[sflag:s0] =	ssyncadd.tile.s32 @!p0 $0x1;
	_ =	shalt  }
.Lfunc_end1:
_tile_overlayer_lowered:
.L_overlay_start_2:
0x43: {  	(tag) =	ssettag $0x2  }
0x44: {  	s0 =	rddreg [dreg:$0x0];
	s2 =	stileid.u32  }
0x45: {  	s1 =	rddreg [dreg:$0x1];
	p0 =	sne.s32 s2, $0x0  }
0x46: {  	s3 =	rddreg [dreg:$0x2];
	[bflag:$0x3] =	sbarrier.arrive $0xFFFF;
	s2 =	simm.s32 @!p0 $0x1C01  }
0x47: {  	[timem:s3], [sflag:s2] =	dma.local @!p0 [hbm:s0], s1  }
0x48: {  	s0 =	simm.s32 @!p0 $0x1  }
0x49: {  	_ =	swait.ge @!p0 [sflag:s0], s1  }
0x4a: {  	s1 =	ssub.s32 @!p0 $0x0, s1;
	[sflag:s0] =	ssyncset.done @!p0 $0x0  }
0x4b: {  	[sflag:s0] =	ssyncadd.s32 @!p0 s1  }
0x4c: {  	[bflag:$0x3] =	sbarrier.arrive $0xFFFF  }
0x4d: {  	_ =	shalt  }

</sc_bundles>
